<compile_context>
chip_gen: v7x
topology: tpu7x:2x2x1
jax: 0.10.2.dev20260603
libtpu: 0.0.44.dev20260713+nightly
codegen_flags: <defaults>
</compile_context>

<pallas_src>
import functools

import jax
import jax.numpy as jnp
from jax import lax
from jax.experimental import pallas as pl
from jax.experimental.pallas import tpu as pltpu
from jax.experimental.pallas import tpu_sc as plsc

B = 4096
S = 200
D = 64
NTOK = B * S
NC = 2
NS = 16
NW = NC * NS
TOK_PER_W = NTOK // NW
G = 100
NSUB = 4
CH = G * NSUB
NCHUNK = TOK_PER_W // CH


def _sc_body(resp_hbm, els_hbm, lag_hbm, pos_hbm, rtbl_hbm, etbl_hbm,
             ltbl_hbm, sidx_hbm, out_hbm, sidx_v, ridx, eidx, lidx, out_buf):
    wid = lax.axis_index("s") * NC + lax.axis_index("c")
    base_tok = wid * TOK_PER_W
    base_row = wid * (TOK_PER_W // G)

    pltpu.sync_copy(sidx_hbm, sidx_v)

    @pl.loop(0, NCHUNK)
    def _chunk(ci):
        tok0 = base_tok + ci * CH
        r0 = base_row + ci * NSUB
        pltpu.sync_copy(resp_hbm.at[pl.ds(r0, NSUB)], ridx)
        pltpu.sync_copy(els_hbm.at[pl.ds(r0, NSUB)], eidx)
        pltpu.sync_copy(lag_hbm.at[pl.ds(r0, NSUB)], lidx)
        for j in range(NSUB):
            dst = out_buf.at[pl.ds(j * G, G)]
            pltpu.sync_copy(rtbl_hbm.at[ridx.at[j]], dst)
            pltpu.sync_copy(etbl_hbm.at[eidx.at[j]], dst, add=True)
            pltpu.sync_copy(ltbl_hbm.at[lidx.at[j]], dst, add=True)
            pltpu.sync_copy(pos_hbm.at[sidx_v.at[j]], dst, add=True)
        pltpu.sync_copy(out_buf, out_hbm.at[pl.ds(tok0, CH)])


@jax.jit
def _run(resp2d, els2d, lag2d, position_embed, response_embed,
         elapsed_time_embed, lag_time_embed, sidx):
    mesh = plsc.VectorSubcoreMesh(core_axis_name="c", subcore_axis_name="s")
    f = pl.kernel(
        _sc_body,
        out_type=jax.ShapeDtypeStruct((NTOK, D), jnp.float32),
        mesh=mesh,
        compiler_params=pltpu.CompilerParams(use_tc_tiling_on_sc=False),
        scratch_types=[
            pltpu.VMEM((NSUB, G), jnp.int32),
            pltpu.VMEM((NSUB, G), jnp.int32),
            pltpu.VMEM((NSUB, G), jnp.int32),
            pltpu.VMEM((NSUB, G), jnp.int32),
            pltpu.VMEM((CH, D), jnp.float32),
        ],
    )
    return f(resp2d, els2d, lag2d, position_embed, response_embed,
             elapsed_time_embed, lag_time_embed, sidx)


def kernel(response, elapsed_time, lag_time, position_embed, response_embed,
           elapsed_time_embed, lag_time_embed):
    resp2d = response.astype(jnp.int32).reshape(NTOK // G, G)
    els2d = elapsed_time.astype(jnp.int32).reshape(NTOK // G, G)
    lag2d = lag_time.astype(jnp.int32).reshape(NTOK // G, G)
    sidx = (jnp.arange(CH, dtype=jnp.int32) % S).reshape(NSUB, G)
    out = _run(resp2d, els2d, lag2d, position_embed, response_embed,
               elapsed_time_embed, lag_time_embed, sidx)
    return out.reshape(B, S, D)

# --- scband reference (transcript-rebuilt; emitter-appended) ---
"""Pipeline reference for scband-decoder-embedding-54932631715851 (READ-ONLY COPY).

The authoritative reference and input builder live on the scoring server;
editing this copy changes nothing except your own understanding.
"""

import jax, jax.numpy as jnp
import numpy as np

B = 4096
SEQ_LEN = 200
N_DIMS = 64
N_RESPONSE = 3
N_ELAPSED = 301
N_LAG = 1441


def setup_inputs(seed: int = 0) -> dict:
    key = jax.random.key(seed)
    k1, k2, k3, k4, k5, k6, k7 = jax.random.split(key, 7)
    response = jax.random.randint(k1, (B, SEQ_LEN), 0, N_RESPONSE, dtype=jnp.int64 if jax.config.jax_enable_x64 else jnp.int32)
    elapsed_time = jax.random.randint(k2, (B, SEQ_LEN), 0, N_ELAPSED, dtype=jnp.int64 if jax.config.jax_enable_x64 else jnp.int32)
    lag_time = jax.random.randint(k3, (B, SEQ_LEN), 0, N_LAG, dtype=jnp.int64 if jax.config.jax_enable_x64 else jnp.int32)
    position_embed = jax.random.normal(k4, (SEQ_LEN, N_DIMS), dtype=jnp.float32)
    response_embed = jax.random.normal(k5, (N_RESPONSE, N_DIMS), dtype=jnp.float32)
    elapsed_time_embed = jax.random.normal(k6, (N_ELAPSED, N_DIMS), dtype=jnp.float32)
    lag_time_embed = jax.random.normal(k7, (N_LAG, N_DIMS), dtype=jnp.float32)
    return {
        "response": response,
        "elapsed_time": elapsed_time,
        "lag_time": lag_time,
        "position_embed": position_embed,
        "response_embed": response_embed,
        "elapsed_time_embed": elapsed_time_embed,
        "lag_time_embed": lag_time_embed,
    }


def reference(response, elapsed_time, lag_time, position_embed, response_embed, elapsed_time_embed, lag_time_embed):
    seq = jnp.arange(SEQ_LEN)[None, :]                       # [1, S]
    pos = jnp.take(position_embed, seq, axis=0)              # [1, S, D]
    res = jnp.take(response_embed, response, axis=0)         # [B, S, D]
    els_time = jnp.take(elapsed_time_embed, elapsed_time, axis=0)  # [B, S, D]
    l_time = jnp.take(lag_time_embed, lag_time, axis=0)      # [B, S, D]
    return pos + res + els_time + l_time

if __name__ == "__main__":
    import jax
    _d = setup_inputs()
    print(jax.jit(kernel)(*tuple(_d.values())))

</pallas_src>

<mosaic_0001>
#map = affine_map<(d0, d1) -> (0, 0)>
module attributes {stable_mosaic.version = 14 : i64} {
  func.func @_sc_body(%arg0: i32, %arg1: i32, %arg2: memref<8192x100xi32, #tpu.memory_space<hbm>>, %arg3: memref<8192x100xi32, #tpu.memory_space<hbm>>, %arg4: memref<8192x100xi32, #tpu.memory_space<hbm>>, %arg5: memref<200x64xf32, #tpu.memory_space<hbm>>, %arg6: memref<3x64xf32, #tpu.memory_space<hbm>>, %arg7: memref<301x64xf32, #tpu.memory_space<hbm>>, %arg8: memref<1441x64xf32, #tpu.memory_space<hbm>>, %arg9: memref<4x100xi32, #tpu.memory_space<hbm>>, %arg10: memref<819200x64xf32, #tpu.memory_space<hbm>>, %arg11: memref<4x100xi32, #tpu.memory_space<vmem>>, %arg12: memref<4x100xi32, #tpu.memory_space<vmem>>, %arg13: memref<4x100xi32, #tpu.memory_space<vmem>>, %arg14: memref<4x100xi32, #tpu.memory_space<vmem>>, %arg15: memref<400x64xf32, #tpu.memory_space<vmem>>) attributes {dimension_semantics = [#tpu.dimension_semantics<core_parallel>, #tpu.dimension_semantics<subcore_parallel>], iteration_bounds = array<i64: 2, 16>, scalar_prefetch = 0 : i64, scratch_operands = 5 : i64, tpu.core_type = #tpu.core_type<sc_vector_subcore>, window_params = [{transform_indices = #map}, {transform_indices = #map}, {transform_indices = #map}, {transform_indices = #map}, {transform_indices = #map}, {transform_indices = #map}, {transform_indices = #map}, {transform_indices = #map}, {transform_indices = #map}]} {
    %mul3A = arith.constant 2 : i32
    %mul3A_0 = arith.muli %arg1, %mul3A : i32
    %add3A = arith.addi %mul3A_0, %arg0 : i32
    %mul3A_1 = arith.constant 25600 : i32
    %mul3A_2 = arith.muli %add3A, %mul3A_1 : i32
    %mul3A_3 = arith.constant 256 : i32
    %mul3A_4 = arith.muli %add3A, %mul3A_3 : i32
    "tpu.region"() ({
      %run_scoped3A = tpu.sem_alloc : memref<!tpu.dma_semaphore, #tpu.memory_space<semaphore_mem>>
      tpu.enqueue_dma source(%arg9 : memref<4x100xi32, #tpu.memory_space<hbm>>) target(%arg11 : memref<4x100xi32, #tpu.memory_space<vmem>>) target_semaphore(%run_scoped3A : memref<!tpu.dma_semaphore, #tpu.memory_space<semaphore_mem>>)
      tpu.wait_dma2 semaphore(%run_scoped3A : memref<!tpu.dma_semaphore, #tpu.memory_space<semaphore_mem>>) src(%arg9 : memref<4x100xi32, #tpu.memory_space<hbm>>) dst(%arg11 : memref<4x100xi32, #tpu.memory_space<vmem>>)
      tpu.yield
    }) : () -> ()
    %scan3A = arith.constant 0 : i32
    %scan3A_5 = arith.constant 64 : i32
    %scan3A_6 = arith.addi %scan3A, %scan3A_5 : i32
    %scan3A_7 = arith.constant 1 : i32
    scf.for %scan3A_9 = %scan3A to %scan3A_6 step %scan3A_7  : i32 {
      %mul3A_10 = arith.constant 1 : i32
      %mul3A_11 = arith.muli %scan3A_9, %mul3A_10 : i32
      %add3A_12 = arith.constant 0 : i32
      %add3A_13 = arith.addi %add3A_12, %mul3A_11 : i32
      %mul3A_14 = arith.constant 400 : i32
      %mul3A_15 = arith.muli %add3A_13, %mul3A_14 : i32
      %add3A_16 = arith.addi %mul3A_2, %mul3A_15 : i32
      %mul3A_17 = arith.constant 4 : i32
      %mul3A_18 = arith.muli %add3A_13, %mul3A_17 : i32
      %add3A_19 = arith.addi %mul3A_4, %mul3A_18 : i32
      "tpu.region"() ({
        %run_scoped3A_35 = tpu.sem_alloc : memref<!tpu.dma_semaphore, #tpu.memory_space<semaphore_mem>>
        %dma_start3A = arith.constant 0 : i32
        %dma_start3A_36 = tpu.memref_slice %arg2[%add3A_19, %dma_start3A] : memref<8192x100xi32, #tpu.memory_space<hbm>> -> memref<4x100xi32, #tpu.memory_space<hbm>>
        %dma_start3A_37 = arith.constant 0 : i32
        %dma_start3A_38 = tpu.memref_slice %arg2[%add3A_19, %dma_start3A_37] : memref<8192x100xi32, #tpu.memory_space<hbm>> -> memref<4x100xi32, #tpu.memory_space<hbm>>
        tpu.enqueue_dma source(%dma_start3A_38 : memref<4x100xi32, #tpu.memory_space<hbm>>) target(%arg12 : memref<4x100xi32, #tpu.memory_space<vmem>>) target_semaphore(%run_scoped3A_35 : memref<!tpu.dma_semaphore, #tpu.memory_space<semaphore_mem>>)
        %dma_wait3A = arith.constant 0 : i32
        %dma_wait3A_39 = tpu.memref_slice %arg2[%add3A_19, %dma_wait3A] : memref<8192x100xi32, #tpu.memory_space<hbm>> -> memref<4x100xi32, #tpu.memory_space<hbm>>
        %dma_wait3A_40 = arith.constant 0 : i32
        %dma_wait3A_41 = tpu.memref_slice %arg2[%add3A_19, %dma_wait3A_40] : memref<8192x100xi32, #tpu.memory_space<hbm>> -> memref<4x100xi32, #tpu.memory_space<hbm>>
        tpu.wait_dma2 semaphore(%run_scoped3A_35 : memref<!tpu.dma_semaphore, #tpu.memory_space<semaphore_mem>>) src(%dma_wait3A_41 : memref<4x100xi32, #tpu.memory_space<hbm>>) dst(%arg12 : memref<4x100xi32, #tpu.memory_space<vmem>>)
        tpu.yield
      }) : () -> ()
      "tpu.region"() ({
        %run_scoped3A_35 = tpu.sem_alloc : memref<!tpu.dma_semaphore, #tpu.memory_space<semaphore_mem>>
        %dma_start3A = arith.constant 0 : i32
        %dma_start3A_36 = tpu.memref_slice %arg3[%add3A_19, %dma_start3A] : memref<8192x100xi32, #tpu.memory_space<hbm>> -> memref<4x100xi32, #tpu.memory_space<hbm>>
        %dma_start3A_37 = arith.constant 0 : i32
        %dma_start3A_38 = tpu.memref_slice %arg3[%add3A_19, %dma_start3A_37] : memref<8192x100xi32, #tpu.memory_space<hbm>> -> memref<4x100xi32, #tpu.memory_space<hbm>>
        tpu.enqueue_dma source(%dma_start3A_38 : memref<4x100xi32, #tpu.memory_space<hbm>>) target(%arg13 : memref<4x100xi32, #tpu.memory_space<vmem>>) target_semaphore(%run_scoped3A_35 : memref<!tpu.dma_semaphore, #tpu.memory_space<semaphore_mem>>)
        %dma_wait3A = arith.constant 0 : i32
        %dma_wait3A_39 = tpu.memref_slice %arg3[%add3A_19, %dma_wait3A] : memref<8192x100xi32, #tpu.memory_space<hbm>> -> memref<4x100xi32, #tpu.memory_space<hbm>>
        %dma_wait3A_40 = arith.constant 0 : i32
        %dma_wait3A_41 = tpu.memref_slice %arg3[%add3A_19, %dma_wait3A_40] : memref<8192x100xi32, #tpu.memory_space<hbm>> -> memref<4x100xi32, #tpu.memory_space<hbm>>
        tpu.wait_dma2 semaphore(%run_scoped3A_35 : memref<!tpu.dma_semaphore, #tpu.memory_space<semaphore_mem>>) src(%dma_wait3A_41 : memref<4x100xi32, #tpu.memory_space<hbm>>) dst(%arg13 : memref<4x100xi32, #tpu.memory_space<vmem>>)
        tpu.yield
      }) : () -> ()
      "tpu.region"() ({
        %run_scoped3A_35 = tpu.sem_alloc : memref<!tpu.dma_semaphore, #tpu.memory_space<semaphore_mem>>
        %dma_start3A = arith.constant 0 : i32
        %dma_start3A_36 = tpu.memref_slice %arg4[%add3A_19, %dma_start3A] : memref<8192x100xi32, #tpu.memory_space<hbm>> -> memref<4x100xi32, #tpu.memory_space<hbm>>
        %dma_start3A_37 = arith.constant 0 : i32
        %dma_start3A_38 = tpu.memref_slice %arg4[%add3A_19, %dma_start3A_37] : memref<8192x100xi32, #tpu.memory_space<hbm>> -> memref<4x100xi32, #tpu.memory_space<hbm>>
        tpu.enqueue_dma source(%dma_start3A_38 : memref<4x100xi32, #tpu.memory_space<hbm>>) target(%arg14 : memref<4x100xi32, #tpu.memory_space<vmem>>) target_semaphore(%run_scoped3A_35 : memref<!tpu.dma_semaphore, #tpu.memory_space<semaphore_mem>>)
        %dma_wait3A = arith.constant 0 : i32
        %dma_wait3A_39 = tpu.memref_slice %arg4[%add3A_19, %dma_wait3A] : memref<8192x100xi32, #tpu.memory_space<hbm>> -> memref<4x100xi32, #tpu.memory_space<hbm>>
        %dma_wait3A_40 = arith.constant 0 : i32
        %dma_wait3A_41 = tpu.memref_slice %arg4[%add3A_19, %dma_wait3A_40] : memref<8192x100xi32, #tpu.memory_space<hbm>> -> memref<4x100xi32, #tpu.memory_space<hbm>>
        tpu.wait_dma2 semaphore(%run_scoped3A_35 : memref<!tpu.dma_semaphore, #tpu.memory_space<semaphore_mem>>) src(%dma_wait3A_41 : memref<4x100xi32, #tpu.memory_space<hbm>>) dst(%arg14 : memref<4x100xi32, #tpu.memory_space<vmem>>)
        tpu.yield
      }) : () -> ()
      %run_scoped3A = arith.constant 0 : i32
      "tpu.region"() ({
        %run_scoped3A_35 = tpu.sem_alloc : memref<!tpu.dma_semaphore, #tpu.memory_space<semaphore_mem>>
        %dma_start3A = arith.constant 0 : i32
        %dma_start3A_36 = arith.constant 0 : i32
        %dma_start3A_37 = tpu.memref_slice %arg15[%dma_start3A, %dma_start3A_36] : memref<400x64xf32, #tpu.memory_space<vmem>> -> memref<100x64xf32, #tpu.memory_space<vmem>>
        %dma_start3A_38 = arith.constant 0 : i32
        %dma_start3A_39 = tpu.memref_slice %arg12[%run_scoped3A, %dma_start3A_38] : memref<4x100xi32, #tpu.memory_space<vmem>> -> memref<1x100xi32, #tpu.memory_space<vmem>>
        %dma_start3A_40 = tpu.memref_squeeze %dma_start3A_39 : memref<1x100xi32, #tpu.memory_space<vmem>> -> memref<100xi32, #tpu.memory_space<vmem>>
        %dma_start3A_41 = arith.constant 0 : i32
        %dma_start3A_42 = arith.constant 0 : i32
        %dma_start3A_43 = tpu.memref_slice %arg6[%dma_start3A_41, %dma_start3A_42] : memref<3x64xf32, #tpu.memory_space<hbm>> -> memref<3x64xf32, #tpu.memory_space<hbm>>
        tpu.enqueue_indirect_dma source(%dma_start3A_43 : memref<3x64xf32, #tpu.memory_space<hbm>>) target(%dma_start3A_37 : memref<100x64xf32, #tpu.memory_space<vmem>>) offsets(%dma_start3A_40 : memref<100xi32, #tpu.memory_space<vmem>>) semaphore(%run_scoped3A_35 : memref<!tpu.dma_semaphore, #tpu.memory_space<semaphore_mem>>)
        %dma_wait3A = arith.constant 0 : i32
        %dma_wait3A_44 = arith.constant 0 : i32
        %dma_wait3A_45 = tpu.memref_slice %arg15[%dma_wait3A, %dma_wait3A_44] : memref<400x64xf32, #tpu.memory_space<vmem>> -> memref<100x64xf32, #tpu.memory_space<vmem>>
        %dma_wait3A_46 = arith.constant 0 : i32
        %dma_wait3A_47 = tpu.memref_slice %arg12[%run_scoped3A, %dma_wait3A_46] : memref<4x100xi32, #tpu.memory_space<vmem>> -> memref<1x100xi32, #tpu.memory_space<vmem>>
        %dma_wait3A_48 = tpu.memref_squeeze %dma_wait3A_47 : memref<1x100xi32, #tpu.memory_space<vmem>> -> memref<100xi32, #tpu.memory_space<vmem>>
        %dma_wait3A_49 = arith.constant 0 : i32
        %dma_wait3A_50 = arith.constant 0 : i32
        %dma_wait3A_51 = tpu.memref_slice %arg6[%dma_wait3A_49, %dma_wait3A_50] : memref<3x64xf32, #tpu.memory_space<hbm>> -> memref<3x64xf32, #tpu.memory_space<hbm>>
        tpu.wait_indirect_dma semaphore(%run_scoped3A_35 : memref<!tpu.dma_semaphore, #tpu.memory_space<semaphore_mem>>) src(%dma_wait3A_51 : memref<3x64xf32, #tpu.memory_space<hbm>>) dst(%dma_wait3A_45 : memref<100x64xf32, #tpu.memory_space<vmem>>)
        tpu.yield
      }) : () -> ()
      %run_scoped3A_20 = arith.constant 0 : i32
      "tpu.region"() ({
        %run_scoped3A_35 = tpu.sem_alloc : memref<!tpu.dma_semaphore, #tpu.memory_space<semaphore_mem>>
        %dma_start3A = arith.constant 0 : i32
        %dma_start3A_36 = arith.constant 0 : i32
        %dma_start3A_37 = tpu.memref_slice %arg15[%dma_start3A, %dma_start3A_36] : memref<400x64xf32, #tpu.memory_space<vmem>> -> memref<100x64xf32, #tpu.memory_space<vmem>>
        %dma_start3A_38 = arith.constant 0 : i32
        %dma_start3A_39 = tpu.memref_slice %arg13[%run_scoped3A_20, %dma_start3A_38] : memref<4x100xi32, #tpu.memory_space<vmem>> -> memref<1x100xi32, #tpu.memory_space<vmem>>
        %dma_start3A_40 = tpu.memref_squeeze %dma_start3A_39 : memref<1x100xi32, #tpu.memory_space<vmem>> -> memref<100xi32, #tpu.memory_space<vmem>>
        %dma_start3A_41 = arith.constant 0 : i32
        %dma_start3A_42 = arith.constant 0 : i32
        %dma_start3A_43 = tpu.memref_slice %arg7[%dma_start3A_41, %dma_start3A_42] : memref<301x64xf32, #tpu.memory_space<hbm>> -> memref<301x64xf32, #tpu.memory_space<hbm>>
        tpu.enqueue_indirect_dma source(%dma_start3A_43 : memref<301x64xf32, #tpu.memory_space<hbm>>) target(%dma_start3A_37 : memref<100x64xf32, #tpu.memory_space<vmem>>) offsets(%dma_start3A_40 : memref<100xi32, #tpu.memory_space<vmem>>) semaphore(%run_scoped3A_35 : memref<!tpu.dma_semaphore, #tpu.memory_space<semaphore_mem>>) {add = true}
        %dma_wait3A = arith.constant 0 : i32
        %dma_wait3A_44 = arith.constant 0 : i32
        %dma_wait3A_45 = tpu.memref_slice %arg15[%dma_wait3A, %dma_wait3A_44] : memref<400x64xf32, #tpu.memory_space<vmem>> -> memref<100x64xf32, #tpu.memory_space<vmem>>
        %dma_wait3A_46 = arith.constant 0 : i32
        %dma_wait3A_47 = tpu.memref_slice %arg13[%run_scoped3A_20, %dma_wait3A_46] : memref<4x100xi32, #tpu.memory_space<vmem>> -> memref<1x100xi32, #tpu.memory_space<vmem>>
        %dma_wait3A_48 = tpu.memref_squeeze %dma_wait3A_47 : memref<1x100xi32, #tpu.memory_space<vmem>> -> memref<100xi32, #tpu.memory_space<vmem>>
        %dma_wait3A_49 = arith.constant 0 : i32
        %dma_wait3A_50 = arith.constant 0 : i32
        %dma_wait3A_51 = tpu.memref_slice %arg7[%dma_wait3A_49, %dma_wait3A_50] : memref<301x64xf32, #tpu.memory_space<hbm>> -> memref<301x64xf32, #tpu.memory_space<hbm>>
        tpu.wait_indirect_dma semaphore(%run_scoped3A_35 : memref<!tpu.dma_semaphore, #tpu.memory_space<semaphore_mem>>) src(%dma_wait3A_51 : memref<301x64xf32, #tpu.memory_space<hbm>>) dst(%dma_wait3A_45 : memref<100x64xf32, #tpu.memory_space<vmem>>)
        tpu.yield
      }) : () -> ()
      %run_scoped3A_21 = arith.constant 0 : i32
      "tpu.region"() ({
        %run_scoped3A_35 = tpu.sem_alloc : memref<!tpu.dma_semaphore, #tpu.memory_space<semaphore_mem>>
        %dma_start3A = arith.constant 0 : i32
        %dma_start3A_36 = arith.constant 0 : i32
        %dma_start3A_37 = tpu.memref_slice %arg15[%dma_start3A, %dma_start3A_36] : memref<400x64xf32, #tpu.memory_space<vmem>> -> memref<100x64xf32, #tpu.memory_space<vmem>>
        %dma_start3A_38 = arith.constant 0 : i32
        %dma_start3A_39 = tpu.memref_slice %arg14[%run_scoped3A_21, %dma_start3A_38] : memref<4x100xi32, #tpu.memory_space<vmem>> -> memref<1x100xi32, #tpu.memory_space<vmem>>
        %dma_start3A_40 = tpu.memref_squeeze %dma_start3A_39 : memref<1x100xi32, #tpu.memory_space<vmem>> -> memref<100xi32, #tpu.memory_space<vmem>>
        %dma_start3A_41 = arith.constant 0 : i32
        %dma_start3A_42 = arith.constant 0 : i32
        %dma_start3A_43 = tpu.memref_slice %arg8[%dma_start3A_41, %dma_start3A_42] : memref<1441x64xf32, #tpu.memory_space<hbm>> -> memref<1441x64xf32, #tpu.memory_space<hbm>>
        tpu.enqueue_indirect_dma source(%dma_start3A_43 : memref<1441x64xf32, #tpu.memory_space<hbm>>) target(%dma_start3A_37 : memref<100x64xf32, #tpu.memory_space<vmem>>) offsets(%dma_start3A_40 : memref<100xi32, #tpu.memory_space<vmem>>) semaphore(%run_scoped3A_35 : memref<!tpu.dma_semaphore, #tpu.memory_space<semaphore_mem>>) {add = true}
        %dma_wait3A = arith.constant 0 : i32
        %dma_wait3A_44 = arith.constant 0 : i32
        %dma_wait3A_45 = tpu.memref_slice %arg15[%dma_wait3A, %dma_wait3A_44] : memref<400x64xf32, #tpu.memory_space<vmem>> -> memref<100x64xf32, #tpu.memory_space<vmem>>
        %dma_wait3A_46 = arith.constant 0 : i32
        %dma_wait3A_47 = tpu.memref_slice %arg14[%run_scoped3A_21, %dma_wait3A_46] : memref<4x100xi32, #tpu.memory_space<vmem>> -> memref<1x100xi32, #tpu.memory_space<vmem>>
        %dma_wait3A_48 = tpu.memref_squeeze %dma_wait3A_47 : memref<1x100xi32, #tpu.memory_space<vmem>> -> memref<100xi32, #tpu.memory_space<vmem>>
        %dma_wait3A_49 = arith.constant 0 : i32
        %dma_wait3A_50 = arith.constant 0 : i32
        %dma_wait3A_51 = tpu.memref_slice %arg8[%dma_wait3A_49, %dma_wait3A_50] : memref<1441x64xf32, #tpu.memory_space<hbm>> -> memref<1441x64xf32, #tpu.memory_space<hbm>>
        tpu.wait_indirect_dma semaphore(%run_scoped3A_35 : memref<!tpu.dma_semaphore, #tpu.memory_space<semaphore_mem>>) src(%dma_wait3A_51 : memref<1441x64xf32, #tpu.memory_space<hbm>>) dst(%dma_wait3A_45 : memref<100x64xf32, #tpu.memory_space<vmem>>)
        tpu.yield
      }) : () -> ()
      %run_scoped3A_22 = arith.constant 0 : i32
      "tpu.region"() ({
        %run_scoped3A_35 = tpu.sem_alloc : memref<!tpu.dma_semaphore, #tpu.memory_space<semaphore_mem>>
        %dma_start3A = arith.constant 0 : i32
        %dma_start3A_36 = arith.constant 0 : i32
        %dma_start3A_37 = tpu.memref_slice %arg15[%dma_start3A, %dma_start3A_36] : memref<400x64xf32, #tpu.memory_space<vmem>> -> memref<100x64xf32, #tpu.memory_space<vmem>>
        %dma_start3A_38 = arith.constant 0 : i32
        %dma_start3A_39 = tpu.memref_slice %arg11[%run_scoped3A_22, %dma_start3A_38] : memref<4x100xi32, #tpu.memory_space<vmem>> -> memref<1x100xi32, #tpu.memory_space<vmem>>
        %dma_start3A_40 = tpu.memref_squeeze %dma_start3A_39 : memref<1x100xi32, #tpu.memory_space<vmem>> -> memref<100xi32, #tpu.memory_space<vmem>>
        %dma_start3A_41 = arith.constant 0 : i32
        %dma_start3A_42 = arith.constant 0 : i32
        %dma_start3A_43 = tpu.memref_slice %arg5[%dma_start3A_41, %dma_start3A_42] : memref<200x64xf32, #tpu.memory_space<hbm>> -> memref<200x64xf32, #tpu.memory_space<hbm>>
        tpu.enqueue_indirect_dma source(%dma_start3A_43 : memref<200x64xf32, #tpu.memory_space<hbm>>) target(%dma_start3A_37 : memref<100x64xf32, #tpu.memory_space<vmem>>) offsets(%dma_start3A_40 : memref<100xi32, #tpu.memory_space<vmem>>) semaphore(%run_scoped3A_35 : memref<!tpu.dma_semaphore, #tpu.memory_space<semaphore_mem>>) {add = true}
        %dma_wait3A = arith.constant 0 : i32
        %dma_wait3A_44 = arith.constant 0 : i32
        %dma_wait3A_45 = tpu.memref_slice %arg15[%dma_wait3A, %dma_wait3A_44] : memref<400x64xf32, #tpu.memory_space<vmem>> -> memref<100x64xf32, #tpu.memory_space<vmem>>
        %dma_wait3A_46 = arith.constant 0 : i32
        %dma_wait3A_47 = tpu.memref_slice %arg11[%run_scoped3A_22, %dma_wait3A_46] : memref<4x100xi32, #tpu.memory_space<vmem>> -> memref<1x100xi32, #tpu.memory_space<vmem>>
        %dma_wait3A_48 = tpu.memref_squeeze %dma_wait3A_47 : memref<1x100xi32, #tpu.memory_space<vmem>> -> memref<100xi32, #tpu.memory_space<vmem>>
        %dma_wait3A_49 = arith.constant 0 : i32
        %dma_wait3A_50 = arith.constant 0 : i32
        %dma_wait3A_51 = tpu.memref_slice %arg5[%dma_wait3A_49, %dma_wait3A_50] : memref<200x64xf32, #tpu.memory_space<hbm>> -> memref<200x64xf32, #tpu.memory_space<hbm>>
        tpu.wait_indirect_dma semaphore(%run_scoped3A_35 : memref<!tpu.dma_semaphore, #tpu.memory_space<semaphore_mem>>) src(%dma_wait3A_51 : memref<200x64xf32, #tpu.memory_space<hbm>>) dst(%dma_wait3A_45 : memref<100x64xf32, #tpu.memory_space<vmem>>)
        tpu.yield
      }) : () -> ()
      %run_scoped3A_23 = arith.constant 1 : i32
      "tpu.region"() ({
        %run_scoped3A_35 = tpu.sem_alloc : memref<!tpu.dma_semaphore, #tpu.memory_space<semaphore_mem>>
        %dma_start3A = arith.constant 100 : i32
        %dma_start3A_36 = arith.constant 0 : i32
        %dma_start3A_37 = tpu.memref_slice %arg15[%dma_start3A, %dma_start3A_36] : memref<400x64xf32, #tpu.memory_space<vmem>> -> memref<100x64xf32, #tpu.memory_space<vmem>>
        %dma_start3A_38 = arith.constant 0 : i32
        %dma_start3A_39 = tpu.memref_slice %arg12[%run_scoped3A_23, %dma_start3A_38] : memref<4x100xi32, #tpu.memory_space<vmem>> -> memref<1x100xi32, #tpu.memory_space<vmem>>
        %dma_start3A_40 = tpu.memref_squeeze %dma_start3A_39 : memref<1x100xi32, #tpu.memory_space<vmem>> -> memref<100xi32, #tpu.memory_space<vmem>>
        %dma_start3A_41 = arith.constant 0 : i32
        %dma_start3A_42 = arith.constant 0 : i32
        %dma_start3A_43 = tpu.memref_slice %arg6[%dma_start3A_41, %dma_start3A_42] : memref<3x64xf32, #tpu.memory_space<hbm>> -> memref<3x64xf32, #tpu.memory_space<hbm>>
        tpu.enqueue_indirect_dma source(%dma_start3A_43 : memref<3x64xf32, #tpu.memory_space<hbm>>) target(%dma_start3A_37 : memref<100x64xf32, #tpu.memory_space<vmem>>) offsets(%dma_start3A_40 : memref<100xi32, #tpu.memory_space<vmem>>) semaphore(%run_scoped3A_35 : memref<!tpu.dma_semaphore, #tpu.memory_space<semaphore_mem>>)
        %dma_wait3A = arith.constant 100 : i32
        %dma_wait3A_44 = arith.constant 0 : i32
        %dma_wait3A_45 = tpu.memref_slice %arg15[%dma_wait3A, %dma_wait3A_44] : memref<400x64xf32, #tpu.memory_space<vmem>> -> memref<100x64xf32, #tpu.memory_space<vmem>>
        %dma_wait3A_46 = arith.constant 0 : i32
        %dma_wait3A_47 = tpu.memref_slice %arg12[%run_scoped3A_23, %dma_wait3A_46] : memref<4x100xi32, #tpu.memory_space<vmem>> -> memref<1x100xi32, #tpu.memory_space<vmem>>
        %dma_wait3A_48 = tpu.memref_squeeze %dma_wait3A_47 : memref<1x100xi32, #tpu.memory_space<vmem>> -> memref<100xi32, #tpu.memory_space<vmem>>
        %dma_wait3A_49 = arith.constant 0 : i32
        %dma_wait3A_50 = arith.constant 0 : i32
        %dma_wait3A_51 = tpu.memref_slice %arg6[%dma_wait3A_49, %dma_wait3A_50] : memref<3x64xf32, #tpu.memory_space<hbm>> -> memref<3x64xf32, #tpu.memory_space<hbm>>
        tpu.wait_indirect_dma semaphore(%run_scoped3A_35 : memref<!tpu.dma_semaphore, #tpu.memory_space<semaphore_mem>>) src(%dma_wait3A_51 : memref<3x64xf32, #tpu.memory_space<hbm>>) dst(%dma_wait3A_45 : memref<100x64xf32, #tpu.memory_space<vmem>>)
        tpu.yield
      }) : () -> ()
      %run_scoped3A_24 = arith.constant 1 : i32
      "tpu.region"() ({
        %run_scoped3A_35 = tpu.sem_alloc : memref<!tpu.dma_semaphore, #tpu.memory_space<semaphore_mem>>
        %dma_start3A = arith.constant 100 : i32
        %dma_start3A_36 = arith.constant 0 : i32
        %dma_start3A_37 = tpu.memref_slice %arg15[%dma_start3A, %dma_start3A_36] : memref<400x64xf32, #tpu.memory_space<vmem>> -> memref<100x64xf32, #tpu.memory_space<vmem>>
        %dma_start3A_38 = arith.constant 0 : i32
        %dma_start3A_39 = tpu.memref_slice %arg13[%run_scoped3A_24, %dma_start3A_38] : memref<4x100xi32, #tpu.memory_space<vmem>> -> memref<1x100xi32, #tpu.memory_space<vmem>>
        %dma_start3A_40 = tpu.memref_squeeze %dma_start3A_39 : memref<1x100xi32, #tpu.memory_space<vmem>> -> memref<100xi32, #tpu.memory_space<vmem>>
        %dma_start3A_41 = arith.constant 0 : i32
        %dma_start3A_42 = arith.constant 0 : i32
        %dma_start3A_43 = tpu.memref_slice %arg7[%dma_start3A_41, %dma_start3A_42] : memref<301x64xf32, #tpu.memory_space<hbm>> -> memref<301x64xf32, #tpu.memory_space<hbm>>
        tpu.enqueue_indirect_dma source(%dma_start3A_43 : memref<301x64xf32, #tpu.memory_space<hbm>>) target(%dma_start3A_37 : memref<100x64xf32, #tpu.memory_space<vmem>>) offsets(%dma_start3A_40 : memref<100xi32, #tpu.memory_space<vmem>>) semaphore(%run_scoped3A_35 : memref<!tpu.dma_semaphore, #tpu.memory_space<semaphore_mem>>) {add = true}
        %dma_wait3A = arith.constant 100 : i32
        %dma_wait3A_44 = arith.constant 0 : i32
        %dma_wait3A_45 = tpu.memref_slice %arg15[%dma_wait3A, %dma_wait3A_44] : memref<400x64xf32, #tpu.memory_space<vmem>> -> memref<100x64xf32, #tpu.memory_space<vmem>>
        %dma_wait3A_46 = arith.constant 0 : i32
        %dma_wait3A_47 = tpu.memref_slice %arg13[%run_scoped3A_24, %dma_wait3A_46] : memref<4x100xi32, #tpu.memory_space<vmem>> -> memref<1x100xi32, #tpu.memory_space<vmem>>
        %dma_wait3A_48 = tpu.memref_squeeze %dma_wait3A_47 : memref<1x100xi32, #tpu.memory_space<vmem>> -> memref<100xi32, #tpu.memory_space<vmem>>
        %dma_wait3A_49 = arith.constant 0 : i32
        %dma_wait3A_50 = arith.constant 0 : i32
        %dma_wait3A_51 = tpu.memref_slice %arg7[%dma_wait3A_49, %dma_wait3A_50] : memref<301x64xf32, #tpu.memory_space<hbm>> -> memref<301x64xf32, #tpu.memory_space<hbm>>
        tpu.wait_indirect_dma semaphore(%run_scoped3A_35 : memref<!tpu.dma_semaphore, #tpu.memory_space<semaphore_mem>>) src(%dma_wait3A_51 : memref<301x64xf32, #tpu.memory_space<hbm>>) dst(%dma_wait3A_45 : memref<100x64xf32, #tpu.memory_space<vmem>>)
        tpu.yield
      }) : () -> ()
      %run_scoped3A_25 = arith.constant 1 : i32
      "tpu.region"() ({
        %run_scoped3A_35 = tpu.sem_alloc : memref<!tpu.dma_semaphore, #tpu.memory_space<semaphore_mem>>
        %dma_start3A = arith.constant 100 : i32
        %dma_start3A_36 = arith.constant 0 : i32
        %dma_start3A_37 = tpu.memref_slice %arg15[%dma_start3A, %dma_start3A_36] : memref<400x64xf32, #tpu.memory_space<vmem>> -> memref<100x64xf32, #tpu.memory_space<vmem>>
        %dma_start3A_38 = arith.constant 0 : i32
        %dma_start3A_39 = tpu.memref_slice %arg14[%run_scoped3A_25, %dma_start3A_38] : memref<4x100xi32, #tpu.memory_space<vmem>> -> memref<1x100xi32, #tpu.memory_space<vmem>>
        %dma_start3A_40 = tpu.memref_squeeze %dma_start3A_39 : memref<1x100xi32, #tpu.memory_space<vmem>> -> memref<100xi32, #tpu.memory_space<vmem>>
        %dma_start3A_41 = arith.constant 0 : i32
        %dma_start3A_42 = arith.constant 0 : i32
        %dma_start3A_43 = tpu.memref_slice %arg8[%dma_start3A_41, %dma_start3A_42] : memref<1441x64xf32, #tpu.memory_space<hbm>> -> memref<1441x64xf32, #tpu.memory_space<hbm>>
        tpu.enqueue_indirect_dma source(%dma_start3A_43 : memref<1441x64xf32, #tpu.memory_space<hbm>>) target(%dma_start3A_37 : memref<100x64xf32, #tpu.memory_space<vmem>>) offsets(%dma_start3A_40 : memref<100xi32, #tpu.memory_space<vmem>>) semaphore(%run_scoped3A_35 : memref<!tpu.dma_semaphore, #tpu.memory_space<semaphore_mem>>) {add = true}
        %dma_wait3A = arith.constant 100 : i32
        %dma_wait3A_44 = arith.constant 0 : i32
        %dma_wait3A_45 = tpu.memref_slice %arg15[%dma_wait3A, %dma_wait3A_44] : memref<400x64xf32, #tpu.memory_space<vmem>> -> memref<100x64xf32, #tpu.memory_space<vmem>>
        %dma_wait3A_46 = arith.constant 0 : i32
        %dma_wait3A_47 = tpu.memref_slice %arg14[%run_scoped3A_25, %dma_wait3A_46] : memref<4x100xi32, #tpu.memory_space<vmem>> -> memref<1x100xi32, #tpu.memory_space<vmem>>
        %dma_wait3A_48 = tpu.memref_squeeze %dma_wait3A_47 : memref<1x100xi32, #tpu.memory_space<vmem>> -> memref<100xi32, #tpu.memory_space<vmem>>
        %dma_wait3A_49 = arith.constant 0 : i32
        %dma_wait3A_50 = arith.constant 0 : i32
        %dma_wait3A_51 = tpu.memref_slice %arg8[%dma_wait3A_49, %dma_wait3A_50] : memref<1441x64xf32, #tpu.memory_space<hbm>> -> memref<1441x64xf32, #tpu.memory_space<hbm>>
        tpu.wait_indirect_dma semaphore(%run_scoped3A_35 : memref<!tpu.dma_semaphore, #tpu.memory_space<semaphore_mem>>) src(%dma_wait3A_51 : memref<1441x64xf32, #tpu.memory_space<hbm>>) dst(%dma_wait3A_45 : memref<100x64xf32, #tpu.memory_space<vmem>>)
        tpu.yield
      }) : () -> ()
      %run_scoped3A_26 = arith.constant 1 : i32
      "tpu.region"() ({
        %run_scoped3A_35 = tpu.sem_alloc : memref<!tpu.dma_semaphore, #tpu.memory_space<semaphore_mem>>
        %dma_start3A = arith.constant 100 : i32
        %dma_start3A_36 = arith.constant 0 : i32
        %dma_start3A_37 = tpu.memref_slice %arg15[%dma_start3A, %dma_start3A_36] : memref<400x64xf32, #tpu.memory_space<vmem>> -> memref<100x64xf32, #tpu.memory_space<vmem>>
        %dma_start3A_38 = arith.constant 0 : i32
        %dma_start3A_39 = tpu.memref_slice %arg11[%run_scoped3A_26, %dma_start3A_38] : memref<4x100xi32, #tpu.memory_space<vmem>> -> memref<1x100xi32, #tpu.memory_space<vmem>>
        %dma_start3A_40 = tpu.memref_squeeze %dma_start3A_39 : memref<1x100xi32, #tpu.memory_space<vmem>> -> memref<100xi32, #tpu.memory_space<vmem>>
        %dma_start3A_41 = arith.constant 0 : i32
        %dma_start3A_42 = arith.constant 0 : i32
        %dma_start3A_43 = tpu.memref_slice %arg5[%dma_start3A_41, %dma_start3A_42] : memref<200x64xf32, #tpu.memory_space<hbm>> -> memref<200x64xf32, #tpu.memory_space<hbm>>
        tpu.enqueue_indirect_dma source(%dma_start3A_43 : memref<200x64xf32, #tpu.memory_space<hbm>>) target(%dma_start3A_37 : memref<100x64xf32, #tpu.memory_space<vmem>>) offsets(%dma_start3A_40 : memref<100xi32, #tpu.memory_space<vmem>>) semaphore(%run_scoped3A_35 : memref<!tpu.dma_semaphore, #tpu.memory_space<semaphore_mem>>) {add = true}
        %dma_wait3A = arith.constant 100 : i32
        %dma_wait3A_44 = arith.constant 0 : i32
        %dma_wait3A_45 = tpu.memref_slice %arg15[%dma_wait3A, %dma_wait3A_44] : memref<400x64xf32, #tpu.memory_space<vmem>> -> memref<100x64xf32, #tpu.memory_space<vmem>>
        %dma_wait3A_46 = arith.constant 0 : i32
        %dma_wait3A_47 = tpu.memref_slice %arg11[%run_scoped3A_26, %dma_wait3A_46] : memref<4x100xi32, #tpu.memory_space<vmem>> -> memref<1x100xi32, #tpu.memory_space<vmem>>
        %dma_wait3A_48 = tpu.memref_squeeze %dma_wait3A_47 : memref<1x100xi32, #tpu.memory_space<vmem>> -> memref<100xi32, #tpu.memory_space<vmem>>
        %dma_wait3A_49 = arith.constant 0 : i32
        %dma_wait3A_50 = arith.constant 0 : i32
        %dma_wait3A_51 = tpu.memref_slice %arg5[%dma_wait3A_49, %dma_wait3A_50] : memref<200x64xf32, #tpu.memory_space<hbm>> -> memref<200x64xf32, #tpu.memory_space<hbm>>
        tpu.wait_indirect_dma semaphore(%run_scoped3A_35 : memref<!tpu.dma_semaphore, #tpu.memory_space<semaphore_mem>>) src(%dma_wait3A_51 : memref<200x64xf32, #tpu.memory_space<hbm>>) dst(%dma_wait3A_45 : memref<100x64xf32, #tpu.memory_space<vmem>>)
        tpu.yield
      }) : () -> ()
      %run_scoped3A_27 = arith.constant 2 : i32
      "tpu.region"() ({
        %run_scoped3A_35 = tpu.sem_alloc : memref<!tpu.dma_semaphore, #tpu.memory_space<semaphore_mem>>
        %dma_start3A = arith.constant 200 : i32
        %dma_start3A_36 = arith.constant 0 : i32
        %dma_start3A_37 = tpu.memref_slice %arg15[%dma_start3A, %dma_start3A_36] : memref<400x64xf32, #tpu.memory_space<vmem>> -> memref<100x64xf32, #tpu.memory_space<vmem>>
        %dma_start3A_38 = arith.constant 0 : i32
        %dma_start3A_39 = tpu.memref_slice %arg12[%run_scoped3A_27, %dma_start3A_38] : memref<4x100xi32, #tpu.memory_space<vmem>> -> memref<1x100xi32, #tpu.memory_space<vmem>>
        %dma_start3A_40 = tpu.memref_squeeze %dma_start3A_39 : memref<1x100xi32, #tpu.memory_space<vmem>> -> memref<100xi32, #tpu.memory_space<vmem>>
        %dma_start3A_41 = arith.constant 0 : i32
        %dma_start3A_42 = arith.constant 0 : i32
        %dma_start3A_43 = tpu.memref_slice %arg6[%dma_start3A_41, %dma_start3A_42] : memref<3x64xf32, #tpu.memory_space<hbm>> -> memref<3x64xf32, #tpu.memory_space<hbm>>
        tpu.enqueue_indirect_dma source(%dma_start3A_43 : memref<3x64xf32, #tpu.memory_space<hbm>>) target(%dma_start3A_37 : memref<100x64xf32, #tpu.memory_space<vmem>>) offsets(%dma_start3A_40 : memref<100xi32, #tpu.memory_space<vmem>>) semaphore(%run_scoped3A_35 : memref<!tpu.dma_semaphore, #tpu.memory_space<semaphore_mem>>)
        %dma_wait3A = arith.constant 200 : i32
        %dma_wait3A_44 = arith.constant 0 : i32
        %dma_wait3A_45 = tpu.memref_slice %arg15[%dma_wait3A, %dma_wait3A_44] : memref<400x64xf32, #tpu.memory_space<vmem>> -> memref<100x64xf32, #tpu.memory_space<vmem>>
        %dma_wait3A_46 = arith.constant 0 : i32
        %dma_wait3A_47 = tpu.memref_slice %arg12[%run_scoped3A_27, %dma_wait3A_46] : memref<4x100xi32, #tpu.memory_space<vmem>> -> memref<1x100xi32, #tpu.memory_space<vmem>>
        %dma_wait3A_48 = tpu.memref_squeeze %dma_wait3A_47 : memref<1x100xi32, #tpu.memory_space<vmem>> -> memref<100xi32, #tpu.memory_space<vmem>>
        %dma_wait3A_49 = arith.constant 0 : i32
        %dma_wait3A_50 = arith.constant 0 : i32
        %dma_wait3A_51 = tpu.memref_slice %arg6[%dma_wait3A_49, %dma_wait3A_50] : memref<3x64xf32, #tpu.memory_space<hbm>> -> memref<3x64xf32, #tpu.memory_space<hbm>>
        tpu.wait_indirect_dma semaphore(%run_scoped3A_35 : memref<!tpu.dma_semaphore, #tpu.memory_space<semaphore_mem>>) src(%dma_wait3A_51 : memref<3x64xf32, #tpu.memory_space<hbm>>) dst(%dma_wait3A_45 : memref<100x64xf32, #tpu.memory_space<vmem>>)
        tpu.yield
      }) : () -> ()
      %run_scoped3A_28 = arith.constant 2 : i32
      "tpu.region"() ({
        %run_scoped3A_35 = tpu.sem_alloc : memref<!tpu.dma_semaphore, #tpu.memory_space<semaphore_mem>>
        %dma_start3A = arith.constant 200 : i32
        %dma_start3A_36 = arith.constant 0 : i32
        %dma_start3A_37 = tpu.memref_slice %arg15[%dma_start3A, %dma_start3A_36] : memref<400x64xf32, #tpu.memory_space<vmem>> -> memref<100x64xf32, #tpu.memory_space<vmem>>
        %dma_start3A_38 = arith.constant 0 : i32
        %dma_start3A_39 = tpu.memref_slice %arg13[%run_scoped3A_28, %dma_start3A_38] : memref<4x100xi32, #tpu.memory_space<vmem>> -> memref<1x100xi32, #tpu.memory_space<vmem>>
        %dma_start3A_40 = tpu.memref_squeeze %dma_start3A_39 : memref<1x100xi32, #tpu.memory_space<vmem>> -> memref<100xi32, #tpu.memory_space<vmem>>
        %dma_start3A_41 = arith.constant 0 : i32
        %dma_start3A_42 = arith.constant 0 : i32
        %dma_start3A_43 = tpu.memref_slice %arg7[%dma_start3A_41, %dma_start3A_42] : memref<301x64xf32, #tpu.memory_space<hbm>> -> memref<301x64xf32, #tpu.memory_space<hbm>>
        tpu.enqueue_indirect_dma source(%dma_start3A_43 : memref<301x64xf32, #tpu.memory_space<hbm>>) target(%dma_start3A_37 : memref<100x64xf32, #tpu.memory_space<vmem>>) offsets(%dma_start3A_40 : memref<100xi32, #tpu.memory_space<vmem>>) semaphore(%run_scoped3A_35 : memref<!tpu.dma_semaphore, #tpu.memory_space<semaphore_mem>>) {add = true}
        %dma_wait3A = arith.constant 200 : i32
        %dma_wait3A_44 = arith.constant 0 : i32
        %dma_wait3A_45 = tpu.memref_slice %arg15[%dma_wait3A, %dma_wait3A_44] : memref<400x64xf32, #tpu.memory_space<vmem>> -> memref<100x64xf32, #tpu.memory_space<vmem>>
        %dma_wait3A_46 = arith.constant 0 : i32
        %dma_wait3A_47 = tpu.memref_slice %arg13[%run_scoped3A_28, %dma_wait3A_46] : memref<4x100xi32, #tpu.memory_space<vmem>> -> memref<1x100xi32, #tpu.memory_space<vmem>>
        %dma_wait3A_48 = tpu.memref_squeeze %dma_wait3A_47 : memref<1x100xi32, #tpu.memory_space<vmem>> -> memref<100xi32, #tpu.memory_space<vmem>>
        %dma_wait3A_49 = arith.constant 0 : i32
        %dma_wait3A_50 = arith.constant 0 : i32
        %dma_wait3A_51 = tpu.memref_slice %arg7[%dma_wait3A_49, %dma_wait3A_50] : memref<301x64xf32, #tpu.memory_space<hbm>> -> memref<301x64xf32, #tpu.memory_space<hbm>>
        tpu.wait_indirect_dma semaphore(%run_scoped3A_35 : memref<!tpu.dma_semaphore, #tpu.memory_space<semaphore_mem>>) src(%dma_wait3A_51 : memref<301x64xf32, #tpu.memory_space<hbm>>) dst(%dma_wait3A_45 : memref<100x64xf32, #tpu.memory_space<vmem>>)
        tpu.yield
      }) : () -> ()
      %run_scoped3A_29 = arith.constant 2 : i32
      "tpu.region"() ({
        %run_scoped3A_35 = tpu.sem_alloc : memref<!tpu.dma_semaphore, #tpu.memory_space<semaphore_mem>>
        %dma_start3A = arith.constant 200 : i32
        %dma_start3A_36 = arith.constant 0 : i32
        %dma_start3A_37 = tpu.memref_slice %arg15[%dma_start3A, %dma_start3A_36] : memref<400x64xf32, #tpu.memory_space<vmem>> -> memref<100x64xf32, #tpu.memory_space<vmem>>
        %dma_start3A_38 = arith.constant 0 : i32
        %dma_start3A_39 = tpu.memref_slice %arg14[%run_scoped3A_29, %dma_start3A_38] : memref<4x100xi32, #tpu.memory_space<vmem>> -> memref<1x100xi32, #tpu.memory_space<vmem>>
        %dma_start3A_40 = tpu.memref_squeeze %dma_start3A_39 : memref<1x100xi32, #tpu.memory_space<vmem>> -> memref<100xi32, #tpu.memory_space<vmem>>
        %dma_start3A_41 = arith.constant 0 : i32
        %dma_start3A_42 = arith.constant 0 : i32
        %dma_start3A_43 = tpu.memref_slice %arg8[%dma_start3A_41, %dma_start3A_42] : memref<1441x64xf32, #tpu.memory_space<hbm>> -> memref<1441x64xf32, #tpu.memory_space<hbm>>
        tpu.enqueue_indirect_dma source(%dma_start3A_43 : memref<1441x64xf32, #tpu.memory_space<hbm>>) target(%dma_start3A_37 : memref<100x64xf32, #tpu.memory_space<vmem>>) offsets(%dma_start3A_40 : memref<100xi32, #tpu.memory_space<vmem>>) semaphore(%run_scoped3A_35 : memref<!tpu.dma_semaphore, #tpu.memory_space<semaphore_mem>>) {add = true}
        %dma_wait3A = arith.constant 200 : i32
        %dma_wait3A_44 = arith.constant 0 : i32
        %dma_wait3A_45 = tpu.memref_slice %arg15[%dma_wait3A, %dma_wait3A_44] : memref<400x64xf32, #tpu.memory_space<vmem>> -> memref<100x64xf32, #tpu.memory_space<vmem>>
        %dma_wait3A_46 = arith.constant 0 : i32
        %dma_wait3A_47 = tpu.memref_slice %arg14[%run_scoped3A_29, %dma_wait3A_46] : memref<4x100xi32, #tpu.memory_space<vmem>> -> memref<1x100xi32, #tpu.memory_space<vmem>>
        %dma_wait3A_48 = tpu.memref_squeeze %dma_wait3A_47 : memref<1x100xi32, #tpu.memory_space<vmem>> -> memref<100xi32, #tpu.memory_space<vmem>>
        %dma_wait3A_49 = arith.constant 0 : i32
        %dma_wait3A_50 = arith.constant 0 : i32
        %dma_wait3A_51 = tpu.memref_slice %arg8[%dma_wait3A_49, %dma_wait3A_50] : memref<1441x64xf32, #tpu.memory_space<hbm>> -> memref<1441x64xf32, #tpu.memory_space<hbm>>
        tpu.wait_indirect_dma semaphore(%run_scoped3A_35 : memref<!tpu.dma_semaphore, #tpu.memory_space<semaphore_mem>>) src(%dma_wait3A_51 : memref<1441x64xf32, #tpu.memory_space<hbm>>) dst(%dma_wait3A_45 : memref<100x64xf32, #tpu.memory_space<vmem>>)
        tpu.yield
      }) : () -> ()
      %run_scoped3A_30 = arith.constant 2 : i32
      "tpu.region"() ({
        %run_scoped3A_35 = tpu.sem_alloc : memref<!tpu.dma_semaphore, #tpu.memory_space<semaphore_mem>>
        %dma_start3A = arith.constant 200 : i32
        %dma_start3A_36 = arith.constant 0 : i32
        %dma_start3A_37 = tpu.memref_slice %arg15[%dma_start3A, %dma_start3A_36] : memref<400x64xf32, #tpu.memory_space<vmem>> -> memref<100x64xf32, #tpu.memory_space<vmem>>
        %dma_start3A_38 = arith.constant 0 : i32
        %dma_start3A_39 = tpu.memref_slice %arg11[%run_scoped3A_30, %dma_start3A_38] : memref<4x100xi32, #tpu.memory_space<vmem>> -> memref<1x100xi32, #tpu.memory_space<vmem>>
        %dma_start3A_40 = tpu.memref_squeeze %dma_start3A_39 : memref<1x100xi32, #tpu.memory_space<vmem>> -> memref<100xi32, #tpu.memory_space<vmem>>
        %dma_start3A_41 = arith.constant 0 : i32
        %dma_start3A_42 = arith.constant 0 : i32
        %dma_start3A_43 = tpu.memref_slice %arg5[%dma_start3A_41, %dma_start3A_42] : memref<200x64xf32, #tpu.memory_space<hbm>> -> memref<200x64xf32, #tpu.memory_space<hbm>>
        tpu.enqueue_indirect_dma source(%dma_start3A_43 : memref<200x64xf32, #tpu.memory_space<hbm>>) target(%dma_start3A_37 : memref<100x64xf32, #tpu.memory_space<vmem>>) offsets(%dma_start3A_40 : memref<100xi32, #tpu.memory_space<vmem>>) semaphore(%run_scoped3A_35 : memref<!tpu.dma_semaphore, #tpu.memory_space<semaphore_mem>>) {add = true}
        %dma_wait3A = arith.constant 200 : i32
        %dma_wait3A_44 = arith.constant 0 : i32
        %dma_wait3A_45 = tpu.memref_slice %arg15[%dma_wait3A, %dma_wait3A_44] : memref<400x64xf32, #tpu.memory_space<vmem>> -> memref<100x64xf32, #tpu.memory_space<vmem>>
        %dma_wait3A_46 = arith.constant 0 : i32
        %dma_wait3A_47 = tpu.memref_slice %arg11[%run_scoped3A_30, %dma_wait3A_46] : memref<4x100xi32, #tpu.memory_space<vmem>> -> memref<1x100xi32, #tpu.memory_space<vmem>>
        %dma_wait3A_48 = tpu.memref_squeeze %dma_wait3A_47 : memref<1x100xi32, #tpu.memory_space<vmem>> -> memref<100xi32, #tpu.memory_space<vmem>>
        %dma_wait3A_49 = arith.constant 0 : i32
        %dma_wait3A_50 = arith.constant 0 : i32
        %dma_wait3A_51 = tpu.memref_slice %arg5[%dma_wait3A_49, %dma_wait3A_50] : memref<200x64xf32, #tpu.memory_space<hbm>> -> memref<200x64xf32, #tpu.memory_space<hbm>>
        tpu.wait_indirect_dma semaphore(%run_scoped3A_35 : memref<!tpu.dma_semaphore, #tpu.memory_space<semaphore_mem>>) src(%dma_wait3A_51 : memref<200x64xf32, #tpu.memory_space<hbm>>) dst(%dma_wait3A_45 : memref<100x64xf32, #tpu.memory_space<vmem>>)
        tpu.yield
      }) : () -> ()
      %run_scoped3A_31 = arith.constant 3 : i32
      "tpu.region"() ({
        %run_scoped3A_35 = tpu.sem_alloc : memref<!tpu.dma_semaphore, #tpu.memory_space<semaphore_mem>>
        %dma_start3A = arith.constant 300 : i32
        %dma_start3A_36 = arith.constant 0 : i32
        %dma_start3A_37 = tpu.memref_slice %arg15[%dma_start3A, %dma_start3A_36] : memref<400x64xf32, #tpu.memory_space<vmem>> -> memref<100x64xf32, #tpu.memory_space<vmem>>
        %dma_start3A_38 = arith.constant 0 : i32
        %dma_start3A_39 = tpu.memref_slice %arg12[%run_scoped3A_31, %dma_start3A_38] : memref<4x100xi32, #tpu.memory_space<vmem>> -> memref<1x100xi32, #tpu.memory_space<vmem>>
        %dma_start3A_40 = tpu.memref_squeeze %dma_start3A_39 : memref<1x100xi32, #tpu.memory_space<vmem>> -> memref<100xi32, #tpu.memory_space<vmem>>
        %dma_start3A_41 = arith.constant 0 : i32
        %dma_start3A_42 = arith.constant 0 : i32
        %dma_start3A_43 = tpu.memref_slice %arg6[%dma_start3A_41, %dma_start3A_42] : memref<3x64xf32, #tpu.memory_space<hbm>> -> memref<3x64xf32, #tpu.memory_space<hbm>>
        tpu.enqueue_indirect_dma source(%dma_start3A_43 : memref<3x64xf32, #tpu.memory_space<hbm>>) target(%dma_start3A_37 : memref<100x64xf32, #tpu.memory_space<vmem>>) offsets(%dma_start3A_40 : memref<100xi32, #tpu.memory_space<vmem>>) semaphore(%run_scoped3A_35 : memref<!tpu.dma_semaphore, #tpu.memory_space<semaphore_mem>>)
        %dma_wait3A = arith.constant 300 : i32
        %dma_wait3A_44 = arith.constant 0 : i32
        %dma_wait3A_45 = tpu.memref_slice %arg15[%dma_wait3A, %dma_wait3A_44] : memref<400x64xf32, #tpu.memory_space<vmem>> -> memref<100x64xf32, #tpu.memory_space<vmem>>
        %dma_wait3A_46 = arith.constant 0 : i32
        %dma_wait3A_47 = tpu.memref_slice %arg12[%run_scoped3A_31, %dma_wait3A_46] : memref<4x100xi32, #tpu.memory_space<vmem>> -> memref<1x100xi32, #tpu.memory_space<vmem>>
        %dma_wait3A_48 = tpu.memref_squeeze %dma_wait3A_47 : memref<1x100xi32, #tpu.memory_space<vmem>> -> memref<100xi32, #tpu.memory_space<vmem>>
        %dma_wait3A_49 = arith.constant 0 : i32
        %dma_wait3A_50 = arith.constant 0 : i32
        %dma_wait3A_51 = tpu.memref_slice %arg6[%dma_wait3A_49, %dma_wait3A_50] : memref<3x64xf32, #tpu.memory_space<hbm>> -> memref<3x64xf32, #tpu.memory_space<hbm>>
        tpu.wait_indirect_dma semaphore(%run_scoped3A_35 : memref<!tpu.dma_semaphore, #tpu.memory_space<semaphore_mem>>) src(%dma_wait3A_51 : memref<3x64xf32, #tpu.memory_space<hbm>>) dst(%dma_wait3A_45 : memref<100x64xf32, #tpu.memory_space<vmem>>)
        tpu.yield
      }) : () -> ()
      %run_scoped3A_32 = arith.constant 3 : i32
      "tpu.region"() ({
        %run_scoped3A_35 = tpu.sem_alloc : memref<!tpu.dma_semaphore, #tpu.memory_space<semaphore_mem>>
        %dma_start3A = arith.constant 300 : i32
        %dma_start3A_36 = arith.constant 0 : i32
        %dma_start3A_37 = tpu.memref_slice %arg15[%dma_start3A, %dma_start3A_36] : memref<400x64xf32, #tpu.memory_space<vmem>> -> memref<100x64xf32, #tpu.memory_space<vmem>>
        %dma_start3A_38 = arith.constant 0 : i32
        %dma_start3A_39 = tpu.memref_slice %arg13[%run_scoped3A_32, %dma_start3A_38] : memref<4x100xi32, #tpu.memory_space<vmem>> -> memref<1x100xi32, #tpu.memory_space<vmem>>
        %dma_start3A_40 = tpu.memref_squeeze %dma_start3A_39 : memref<1x100xi32, #tpu.memory_space<vmem>> -> memref<100xi32, #tpu.memory_space<vmem>>
        %dma_start3A_41 = arith.constant 0 : i32
        %dma_start3A_42 = arith.constant 0 : i32
        %dma_start3A_43 = tpu.memref_slice %arg7[%dma_start3A_41, %dma_start3A_42] : memref<301x64xf32, #tpu.memory_space<hbm>> -> memref<301x64xf32, #tpu.memory_space<hbm>>
        tpu.enqueue_indirect_dma source(%dma_start3A_43 : memref<301x64xf32, #tpu.memory_space<hbm>>) target(%dma_start3A_37 : memref<100x64xf32, #tpu.memory_space<vmem>>) offsets(%dma_start3A_40 : memref<100xi32, #tpu.memory_space<vmem>>) semaphore(%run_scoped3A_35 : memref<!tpu.dma_semaphore, #tpu.memory_space<semaphore_mem>>) {add = true}
        %dma_wait3A = arith.constant 300 : i32
        %dma_wait3A_44 = arith.constant 0 : i32
        %dma_wait3A_45 = tpu.memref_slice %arg15[%dma_wait3A, %dma_wait3A_44] : memref<400x64xf32, #tpu.memory_space<vmem>> -> memref<100x64xf32, #tpu.memory_space<vmem>>
        %dma_wait3A_46 = arith.constant 0 : i32
        %dma_wait3A_47 = tpu.memref_slice %arg13[%run_scoped3A_32, %dma_wait3A_46] : memref<4x100xi32, #tpu.memory_space<vmem>> -> memref<1x100xi32, #tpu.memory_space<vmem>>
        %dma_wait3A_48 = tpu.memref_squeeze %dma_wait3A_47 : memref<1x100xi32, #tpu.memory_space<vmem>> -> memref<100xi32, #tpu.memory_space<vmem>>
        %dma_wait3A_49 = arith.constant 0 : i32
        %dma_wait3A_50 = arith.constant 0 : i32
        %dma_wait3A_51 = tpu.memref_slice %arg7[%dma_wait3A_49, %dma_wait3A_50] : memref<301x64xf32, #tpu.memory_space<hbm>> -> memref<301x64xf32, #tpu.memory_space<hbm>>
        tpu.wait_indirect_dma semaphore(%run_scoped3A_35 : memref<!tpu.dma_semaphore, #tpu.memory_space<semaphore_mem>>) src(%dma_wait3A_51 : memref<301x64xf32, #tpu.memory_space<hbm>>) dst(%dma_wait3A_45 : memref<100x64xf32, #tpu.memory_space<vmem>>)
        tpu.yield
      }) : () -> ()
      %run_scoped3A_33 = arith.constant 3 : i32
      "tpu.region"() ({
        %run_scoped3A_35 = tpu.sem_alloc : memref<!tpu.dma_semaphore, #tpu.memory_space<semaphore_mem>>
        %dma_start3A = arith.constant 300 : i32
        %dma_start3A_36 = arith.constant 0 : i32
        %dma_start3A_37 = tpu.memref_slice %arg15[%dma_start3A, %dma_start3A_36] : memref<400x64xf32, #tpu.memory_space<vmem>> -> memref<100x64xf32, #tpu.memory_space<vmem>>
        %dma_start3A_38 = arith.constant 0 : i32
        %dma_start3A_39 = tpu.memref_slice %arg14[%run_scoped3A_33, %dma_start3A_38] : memref<4x100xi32, #tpu.memory_space<vmem>> -> memref<1x100xi32, #tpu.memory_space<vmem>>
        %dma_start3A_40 = tpu.memref_squeeze %dma_start3A_39 : memref<1x100xi32, #tpu.memory_space<vmem>> -> memref<100xi32, #tpu.memory_space<vmem>>
        %dma_start3A_41 = arith.constant 0 : i32
        %dma_start3A_42 = arith.constant 0 : i32
        %dma_start3A_43 = tpu.memref_slice %arg8[%dma_start3A_41, %dma_start3A_42] : memref<1441x64xf32, #tpu.memory_space<hbm>> -> memref<1441x64xf32, #tpu.memory_space<hbm>>
        tpu.enqueue_indirect_dma source(%dma_start3A_43 : memref<1441x64xf32, #tpu.memory_space<hbm>>) target(%dma_start3A_37 : memref<100x64xf32, #tpu.memory_space<vmem>>) offsets(%dma_start3A_40 : memref<100xi32, #tpu.memory_space<vmem>>) semaphore(%run_scoped3A_35 : memref<!tpu.dma_semaphore, #tpu.memory_space<semaphore_mem>>) {add = true}
        %dma_wait3A = arith.constant 300 : i32
        %dma_wait3A_44 = arith.constant 0 : i32
        %dma_wait3A_45 = tpu.memref_slice %arg15[%dma_wait3A, %dma_wait3A_44] : memref<400x64xf32, #tpu.memory_space<vmem>> -> memref<100x64xf32, #tpu.memory_space<vmem>>
        %dma_wait3A_46 = arith.constant 0 : i32
        %dma_wait3A_47 = tpu.memref_slice %arg14[%run_scoped3A_33, %dma_wait3A_46] : memref<4x100xi32, #tpu.memory_space<vmem>> -> memref<1x100xi32, #tpu.memory_space<vmem>>
        %dma_wait3A_48 = tpu.memref_squeeze %dma_wait3A_47 : memref<1x100xi32, #tpu.memory_space<vmem>> -> memref<100xi32, #tpu.memory_space<vmem>>
        %dma_wait3A_49 = arith.constant 0 : i32
        %dma_wait3A_50 = arith.constant 0 : i32
        %dma_wait3A_51 = tpu.memref_slice %arg8[%dma_wait3A_49, %dma_wait3A_50] : memref<1441x64xf32, #tpu.memory_space<hbm>> -> memref<1441x64xf32, #tpu.memory_space<hbm>>
        tpu.wait_indirect_dma semaphore(%run_scoped3A_35 : memref<!tpu.dma_semaphore, #tpu.memory_space<semaphore_mem>>) src(%dma_wait3A_51 : memref<1441x64xf32, #tpu.memory_space<hbm>>) dst(%dma_wait3A_45 : memref<100x64xf32, #tpu.memory_space<vmem>>)
        tpu.yield
      }) : () -> ()
      %run_scoped3A_34 = arith.constant 3 : i32
      "tpu.region"() ({
        %run_scoped3A_35 = tpu.sem_alloc : memref<!tpu.dma_semaphore, #tpu.memory_space<semaphore_mem>>
        %dma_start3A = arith.constant 300 : i32
        %dma_start3A_36 = arith.constant 0 : i32
        %dma_start3A_37 = tpu.memref_slice %arg15[%dma_start3A, %dma_start3A_36] : memref<400x64xf32, #tpu.memory_space<vmem>> -> memref<100x64xf32, #tpu.memory_space<vmem>>
        %dma_start3A_38 = arith.constant 0 : i32
        %dma_start3A_39 = tpu.memref_slice %arg11[%run_scoped3A_34, %dma_start3A_38] : memref<4x100xi32, #tpu.memory_space<vmem>> -> memref<1x100xi32, #tpu.memory_space<vmem>>
        %dma_start3A_40 = tpu.memref_squeeze %dma_start3A_39 : memref<1x100xi32, #tpu.memory_space<vmem>> -> memref<100xi32, #tpu.memory_space<vmem>>
        %dma_start3A_41 = arith.constant 0 : i32
        %dma_start3A_42 = arith.constant 0 : i32
        %dma_start3A_43 = tpu.memref_slice %arg5[%dma_start3A_41, %dma_start3A_42] : memref<200x64xf32, #tpu.memory_space<hbm>> -> memref<200x64xf32, #tpu.memory_space<hbm>>
        tpu.enqueue_indirect_dma source(%dma_start3A_43 : memref<200x64xf32, #tpu.memory_space<hbm>>) target(%dma_start3A_37 : memref<100x64xf32, #tpu.memory_space<vmem>>) offsets(%dma_start3A_40 : memref<100xi32, #tpu.memory_space<vmem>>) semaphore(%run_scoped3A_35 : memref<!tpu.dma_semaphore, #tpu.memory_space<semaphore_mem>>) {add = true}
        %dma_wait3A = arith.constant 300 : i32
        %dma_wait3A_44 = arith.constant 0 : i32
        %dma_wait3A_45 = tpu.memref_slice %arg15[%dma_wait3A, %dma_wait3A_44] : memref<400x64xf32, #tpu.memory_space<vmem>> -> memref<100x64xf32, #tpu.memory_space<vmem>>
        %dma_wait3A_46 = arith.constant 0 : i32
        %dma_wait3A_47 = tpu.memref_slice %arg11[%run_scoped3A_34, %dma_wait3A_46] : memref<4x100xi32, #tpu.memory_space<vmem>> -> memref<1x100xi32, #tpu.memory_space<vmem>>
        %dma_wait3A_48 = tpu.memref_squeeze %dma_wait3A_47 : memref<1x100xi32, #tpu.memory_space<vmem>> -> memref<100xi32, #tpu.memory_space<vmem>>
        %dma_wait3A_49 = arith.constant 0 : i32
        %dma_wait3A_50 = arith.constant 0 : i32
        %dma_wait3A_51 = tpu.memref_slice %arg5[%dma_wait3A_49, %dma_wait3A_50] : memref<200x64xf32, #tpu.memory_space<hbm>> -> memref<200x64xf32, #tpu.memory_space<hbm>>
        tpu.wait_indirect_dma semaphore(%run_scoped3A_35 : memref<!tpu.dma_semaphore, #tpu.memory_space<semaphore_mem>>) src(%dma_wait3A_51 : memref<200x64xf32, #tpu.memory_space<hbm>>) dst(%dma_wait3A_45 : memref<100x64xf32, #tpu.memory_space<vmem>>)
        tpu.yield
      }) : () -> ()
      "tpu.region"() ({
        %run_scoped3A_35 = tpu.sem_alloc : memref<!tpu.dma_semaphore, #tpu.memory_space<semaphore_mem>>
        %dma_start3A = arith.constant 0 : i32
        %dma_start3A_36 = tpu.memref_slice %arg10[%add3A_16, %dma_start3A] : memref<819200x64xf32, #tpu.memory_space<hbm>> -> memref<400x64xf32, #tpu.memory_space<hbm>>
        %dma_start3A_37 = arith.constant 0 : i32
        %dma_start3A_38 = tpu.memref_slice %arg10[%add3A_16, %dma_start3A_37] : memref<819200x64xf32, #tpu.memory_space<hbm>> -> memref<400x64xf32, #tpu.memory_space<hbm>>
        tpu.enqueue_dma source(%arg15 : memref<400x64xf32, #tpu.memory_space<vmem>>) target(%dma_start3A_38 : memref<400x64xf32, #tpu.memory_space<hbm>>) target_semaphore(%run_scoped3A_35 : memref<!tpu.dma_semaphore, #tpu.memory_space<semaphore_mem>>)
        %dma_wait3A = arith.constant 0 : i32
        %dma_wait3A_39 = tpu.memref_slice %arg10[%add3A_16, %dma_wait3A] : memref<819200x64xf32, #tpu.memory_space<hbm>> -> memref<400x64xf32, #tpu.memory_space<hbm>>
        %dma_wait3A_40 = arith.constant 0 : i32
        %dma_wait3A_41 = tpu.memref_slice %arg10[%add3A_16, %dma_wait3A_40] : memref<819200x64xf32, #tpu.memory_space<hbm>> -> memref<400x64xf32, #tpu.memory_space<hbm>>
        tpu.wait_dma2 semaphore(%run_scoped3A_35 : memref<!tpu.dma_semaphore, #tpu.memory_space<semaphore_mem>>) src(%arg15 : memref<400x64xf32, #tpu.memory_space<vmem>>) dst(%dma_wait3A_41 : memref<400x64xf32, #tpu.memory_space<hbm>>)
        tpu.yield
      }) : () -> ()
    }
    %scan3A_8 = arith.constant 64 : i32
    return
  }
}

</mosaic_0001>

<sc_bundles>
// kernel: _run.3.cloned.1.call-start
scs
__scs_entry_jumppad:
0x0: {  	(pc) =	sbr.rel $0x88, $3  }
0x1: {  	(tag) =	ssettag $0x0;
	lr =	simm.s32 $0x1  }
0x2: {  	[smem:$0x3F99] =	sst lr;
	_ =	strace $0xD0000000  }
0x3: {  	_ = 	snop  }
0x4: {  	_ = 	snop  }
0x5: {  	_ = 	snop  }
0x6: {  	_ = 	snop  }
0x7: {  	_ = 	snop  }
__scs_overlays_trampoline_lowered:
0x8: {  	[smem:$0x3FA8] =	sst s0  }
0x9: {  	[smem:$0x3FA9] =	sst s1  }
0xa: {  	[smem:$0x3FAA] =	sst s2  }
0xb: {  	[smem:$0x3FAB] =	sst s3  }
0xc: {  	[smem:$0x3FAC] =	sst s4  }
0xd: {  	[smem:$0x3FAD] =	sst s5  }
0xe: {  	[smem:$0x3FAE] =	sst s6  }
0xf: {  	[smem:$0x3FAF] =	sst s7  }
0x10: {  	[smem:$0x3FB0] =	sst s8  }
0x11: {  	[smem:$0x3FB1] =	sst s9;
	s0 =	simm.s32 @!p0 $0x0  }
0x12: {  	s1 =	sld [smem:$0x3F97];
	s0 =	simm.s32 @p0 $0x1  }
0x13: {  	[smem:$0x3FB2] =	sst s0;
	s0 =	simm.s32 @!p1 $0x0  }
0x14: {  	s2 =	sld [smem:$0x3F96];
	s0 =	simm.s32 @p1 $0x1  }
0x15: {  	[smem:$0x3FB3] =	sst s0;
	s0 =	simm.s32 @!p2 $0x0  }
0x16: {  	s3 =	sld [smem:$0x3FDB];
	s0 =	simm.s32 @p2 $0x1  }
0x17: {  	s4 =	simm.s32 $0x1BF5;
	[smem:$0x3FB5] =	sst s0  }
0x18: {  	s0 =	sld [smem:$0x3F98];
	_ =	swait.ge [sflag:s4], $0x0  }
0x19: {  	s7 =	sld [smem:$0x3F99]  }
0x1a: {  	s8 =	sadd.s32 $0xFFFFE003, lr  }
0x1b: {  	s9 =	sadd.s32 $0xFFFFFEF7, lr;
	s5 =	simm.s32 $0xFFFFFFFF;
	p2 =	slt.u32 s8, $0xFFFFF086  }
0x1c: {  	p1 =	slt.u32 s9, $0xF7A;
	s5 =	simm.s32 @!p2 $0x0  }
0x1d: {  	s5 =	simm.s32 @p1 $0x1;
	p0 =	seq.s32 s7, s2  }
0x1e: {  	s7 =	smul.u32 @!p0 $0xF7A, s2;
	p2 =	seq.s32 @!p0 s5, $0x0  }
0x1f: {  	s9 =	smul.u32 $0xF7A, s1;
	s8 =	simm.s32 @!p0 $0x1BF5;
	p2 =	por !p2, p0  }
0x20: {  	[sflag:s8] =	ssyncset.s32 @!p0 $0xFFFFF086;
	s6 =	sadd.s32 @!p0 s3, s7;
	s7 =	simm.s32 @!p0 $0x108  }
0x21: {  	s3 =	sadd.s32 s3, s9;
	s6 =	sadd.s32 @!p0 $0x88, s6;
	s7 =	simm.s32 @p2 $0x1082  }
0x22: {  	[simem:s7], [sflag:s8] =	dma.local @!p0 [hbm:s6], $0xF7A  }
0x23: {  	s9 =	sor.u32 $0xD0000000, s2;
	s6 =	simm.s32 $0x108;
	_ =	swait.ge @!p0 [sflag:s8], $0x0  }
0x24: {  	s3 =	sadd.s32 $0x88, s3;
	s6 =	simm.s32 @!p1 $0x1082;
	[sflag:s4] =	ssyncset.s32 $0xFFFFF086  }
0x25: {  	[simem:s6], [sflag:s4] =	dma.local [hbm:s3], $0xF7A  }
0x26: {  	[smem:$0x3F99] =	sst s1;
	(tag) =	ssettag s2;
	_ =	strace s9  }
0x27: {  	s1 =	sld [smem:$0x3FA9]  }
0x28: {  	s2 =	sld [smem:$0x3FAA]  }
0x29: {  	s4 =	sld [smem:$0x3FAC]  }
0x2a: {  	p0 =	seq.s32 s5, $0x0;
	s5 =	sld [smem:$0x3FAD]  }
0x2b: {  	s6 =	sld [smem:$0x3FAE]  }
0x2c: {  	s7 =	sld [smem:$0x3FAF]  }
0x2d: {  	s3 =	simm.s32 $0x108;
	s8 =	sld [smem:$0x3FB0]  }
0x2e: {  	s3 =	simm.s32 @!p0 $0x1082;
	s9 =	sld [smem:$0x3FB1]  }
0x2f: {  	lr =	sadd.s32 s0, s3;
	s0 =	sld [smem:$0x3FA8]  }
0x30: {  	s3 =	sld [smem:$0x3FAB]  }
0x31: {  	[smem:$0x3FB4] =	sst s10  }
0x32: {  	s10 =	sld [smem:$0x3FB2];
	_ =	sdelay $0x3  }
0x33: {  	p0 =	seq.s32 s10, $0x1;
	s10 =	sld [smem:$0x3FB4];
	_ =	sdelay $0x3  }
0x34: {  	[smem:$0x3FB4] =	sst s10  }
0x35: {  	s10 =	sld [smem:$0x3FB3];
	_ =	sdelay $0x3  }
0x36: {  	p1 =	seq.s32 s10, $0x1;
	s10 =	sld [smem:$0x3FB4];
	_ =	sdelay $0x3  }
0x37: {  	[smem:$0x3FB4] =	sst s10  }
0x38: {  	s10 =	sld [smem:$0x3FB5]  }
0x39: {  	_ = 	snop;
	(pc) =	sbr.ind lr, $3  }
0x3a: {  	_ = 	snop  }
0x3b: {  	_ = 	snop  }
0x3c: {  	p2 =	seq.s32 s10, $0x1;
	s10 =	sld [smem:$0x3FB4]  }
0x3d: {  	_ =	shalt  }
0x3e: {  	_ =	shalt  }
0x3f: {  	_ =	shalt  }
0x40: {  	_ =	shalt  }
0x41: {  	_ =	shalt  }
0x42: {  	_ =	shalt  }
0x43: {  	_ =	shalt  }
0x44: {  	_ =	shalt  }
0x45: {  	_ =	shalt  }
0x46: {  	_ =	shalt  }
0x47: {  	_ =	shalt  }
0x48: {  	_ =	shalt  }
0x49: {  	_ =	shalt  }
0x4a: {  	_ =	shalt  }
0x4b: {  	_ =	shalt  }
0x4c: {  	_ =	shalt  }
0x4d: {  	_ =	shalt  }
0x4e: {  	_ =	shalt  }
0x4f: {  	_ =	shalt  }
0x50: {  	_ =	shalt  }
0x51: {  	_ =	shalt  }
0x52: {  	_ =	shalt  }
0x53: {  	_ =	shalt  }
0x54: {  	_ =	shalt  }
0x55: {  	_ =	shalt  }
0x56: {  	_ =	shalt  }
0x57: {  	_ =	shalt  }
0x58: {  	_ =	shalt  }
0x59: {  	_ =	shalt  }
0x5a: {  	_ =	shalt  }
0x5b: {  	_ =	shalt  }
0x5c: {  	_ =	shalt  }
0x5d: {  	_ =	shalt  }
0x5e: {  	_ =	shalt  }
0x5f: {  	_ =	shalt  }
0x60: {  	_ =	shalt  }
0x61: {  	_ =	shalt  }
0x62: {  	_ =	shalt  }
0x63: {  	_ =	shalt  }
0x64: {  	_ =	shalt  }
0x65: {  	_ =	shalt  }
0x66: {  	_ =	shalt  }
0x67: {  	_ =	shalt  }
0x68: {  	_ =	shalt  }
0x69: {  	_ =	shalt  }
0x6a: {  	_ =	shalt  }
0x6b: {  	_ =	shalt  }
0x6c: {  	_ =	shalt  }
0x6d: {  	_ =	shalt  }
0x6e: {  	_ =	shalt  }
0x6f: {  	_ =	shalt  }
0x70: {  	_ =	shalt  }
0x71: {  	_ =	shalt  }
0x72: {  	_ =	shalt  }
0x73: {  	_ =	shalt  }
0x74: {  	_ =	shalt  }
0x75: {  	_ =	shalt  }
0x76: {  	_ =	shalt  }
0x77: {  	_ =	shalt  }
0x78: {  	_ =	shalt  }
0x79: {  	_ =	shalt  }
0x7a: {  	_ =	shalt  }
0x7b: {  	_ =	shalt  }
0x7c: {  	_ =	shalt  }
0x7d: {  	_ =	shalt  }
0x7e: {  	_ =	shalt  }
0x7f: {  	_ =	shalt  }
0x80: {  	_ =	shalt  }
0x81: {  	_ =	shalt  }
0x82: {  	_ =	shalt  }
0x83: {  	_ =	shalt  }
0x84: {  	_ =	shalt  }
0x85: {  	_ =	shalt  }
0x86: {  	_ =	shalt  }
0x87: {  	_ =	shalt  }
.Lfunc_end0:
.L_simem_size_0:
called_computation.1_lowered:
.L_overlay_start_0:
0x88: {  	s2 =	sld [smem:$0x3FD9]  }
0x89: {  	s3 =	sld [smem:$0x3FFE];
	_ =	sdelay $0x1  }
0x8a: {  	s1 =	srdreg.scid  }
0x8b: {  	s0 =	sand.u32 $0x1, s1  }
0x8c: {  	s17 =	sshll.u32 s0, $0xA;
	s2 =	sadd.s32 s3, s2  }
0x8d: {  	s2 =	sadd.s32 s2, s17  }
0x8e: {  	[smem:$0x3FC0] =	sst s2  }
0x8f: {  	_ = 	snop  }
0x90: {  	s2 =	sld [smem:$0x3FD0];
	(tm) =	ssettm $0x1  }
0x91: {  	s18 =	sld [smem:$0x3FFB];
	_ =	sdelay $0x3  }
0x92: {  	_ =	strace s18  }
0x93: {  	s3 =	sld [smem:$0x3FFC];
	_ =	sdelay $0x3  }
0x94: {  	_ =	strace s3  }
0x95: {  	s3 =	sld [smem:$0x3FFD];
	_ =	sdelay $0x3  }
0x96: {  	_ =	strace s3  }
0x97: {  	_ =	strace $0x8FFFFFFF  }
0x98: {  	s19 =	sld [smem:$0x3FDB];
	_ =	sdelay $0x1  }
0x99: {  	s4 =	simm.s32 $_scs_section_size  }
0x9a: {  	s5 =	simm.s32 $_size__tile_overlayer_lowered;
	s6 =	simm.s32 $_tile_overlayer_lowered  }
0x9b: {  	s22 =	simm.s32 $0x1BFF;
	s21 =	sshll.u32 s6, $0x1;
	s3 =	sadd.s32 s4, s19  }
0x9c: {  	s7 =	simm.s32 $0x0;
	s20 =	sshll.u32 s5, $0x1;
	s5 =	sadd.s32 s21, s3  }
0x9d: {  	[timem:s7], [sflag:s22] =	dma.local [hbm:s5], s20  }
0x9e: {  	_ =	swait.ge [sflag:s22], s20  }
0x9f: {  	s4 =	ssub.s32 $0x0, s20;
	[sflag:s22] =	ssyncset.done $0x0  }
0xa0: {  	[sflag:s22] =	ssyncadd.s32 s4;
	_ =	sdelay $0x1  }
0xa1: {  	s23 =	simm.s32 $0x1B8B  }
0xa2: {  	_ =	swait.ge [sflag:s23], $0x1  }
0xa3: {  	[sflag:s23] =	ssyncset.done $0x0  }
0xa4: {  	s25 =	simm.s32 $0x1B8E;
	s24 =	sld [smem:$0x3FFE];
	[sflag:s23] =	ssyncadd.s32 $0xFFFFFFFF  }
0xa5: {  	s26 =	simm.s32 $execute0_lowered;
	[smem:$0x3FD2] =	sst s25  }
0xa6: {  	s5 =	sshll.u32 s26, $0x1;
	_ =	strace $0x80000046;
	[dreg:$0x1] =	wrdreg $0xFFFFFFFF  }
0xa7: {  	s28 =	simm.s32 $_size_execute0_lowered;
	s3 =	sadd.s32 s3, s5;
	[dreg:$0x0] =	wrdreg $0x0  }
0xa8: {  	s5 =	sshll.u32 s28, $0x1;
	[dreg:$0x2] =	wrdreg s3  }
0xa9: {  	[dreg:$0x3] =	wrdreg s5  }
0xaa: {  	[dreg:$0x4] =	wrdreg $0xC0  }
0xab: {  	_ =	task [dreg:s7], $0x5FFFF  }
0xac: {  	[dreg:$0x1] =	wrdreg $0xFFFFFFFF  }
0xad: {  	[dreg:$0x0] =	wrdreg $0x60  }
0xae: {  	[dreg:$0x2] =	wrdreg s24  }
0xaf: {  	[dreg:$0x3] =	wrdreg s2  }
0xb0: {  	[dreg:$0x4] =	wrdreg $0x9  }
0xb1: {  	_ =	task.clear_ibuf [dreg:s7], $0x5FFFF;
	_ =	strace $0x90000046  }
0xb2: {  	s29 =	simm.s32 $0x9;
	_ =	strace $0x80000048  }
0xb3: {  	_ =	swait.ge [sflag:s29], $0x1  }
0xb4: {  	[sflag:s29] =	ssyncadd.s32 $0xFFFFFFFF  }
0xb5: {  	_ =	strace $0x90000048  }
0xb6: {  	_ =	sfence  }
0xb7: {  	s30 =	sld [smem:$0x0];
	_ =	sdelay $0x2  }
0xb8: {  	s31 =	sshll.u32 s1, $0xD;
	s1 =	sshrl.u32 s1, $0x2  }
0xb9: {  	s3 =	sand.u32 $0x4000, s31;
	s1 =	sadd.s32 s1, s30  }
0xba: {  	s0 =	sor.u32 s3, s0;
	s1 =	sshll.u32 s1, $0x11  }
0xbb: {  	s0 =	sor.u32 s1, s0  }
0xbc: {  	s0 =	sadd.s32 $0x8F2B, s0  }
0xbd: {  	[sflag:s0] =	ssyncadd.remote.s32 $0x1  }
0xbe: {  	_ =	sfence.sel $0xFFFF  }
0xbf: {  	[dreg:$0x0] =	wrdreg $0xFFFFFFFF;
	(pc) =	sbr.abs _section_cstart, $3  }
0xc0: {  	[dreg:$0x1] =	wrdreg $0xFFFFFFFF  }
0xc1: {  	_ =	task.clear_ibuf [dreg:s7], $0x2FFFF;
	_ =	strace $0x9FFFFFFF  }
0xc2: {  	(tm) =	ssettm $0x7FFFFFFF  }
0xc3: {  	_ =	shalt  }
tec
execute0_lowered:
.L_overlay_start_1:
0x0: {  	(tag) =	ssettag $0x1  }
0x1: {  	s0 =	rddreg [dreg:$0x0]  }
0x2: {  	s8 =	rddreg [dreg:$0x1]  }
0x3: {  	s1 =	stileid.u32;
	s2 =	simm.s32 $0x0;
	s4 =	srdreg.scid  }
0x4: {  	s13 =	simm.s32 $0x4E0;
	s14 =	simm.s32 $0x64;
	s26 =	simm.s32 $0x208  }
0x5: {  	s15 =	simm.s32 $0x680;
	s31 =	simm.s32 $0x3A8;
	s16 =	simm.s32 $0x1F80  }
0x6: {  	s17 =	simm.s32 $0x548;
	s18 =	simm.s32 $0x68;
	s19 =	simm.s32 $0x270  }
0x7: {  	s20 =	simm.s32 $0x3880;
	s21 =	simm.s32 $0x410;
	s28 =	simm.s32 $0x618  }
0x8: {  	s29 =	simm.s32 $0x138;
	s30 =	simm.s32 $0x0;
	s3 =	smul.u32 $0x1A00, s1  }
0x9: {  	[smem:$0x7FF] =	sst s2;
	s10 =	sand.u32 $0x1, s4;
	s4 =	sadd.s32 $0xC00, s0  }
0xa: {  	s5 =	sadd.s32 $0x1800, s0;
	s6 =	sadd.s32 $0x2200, s0;
	s23 =	smul.u32 $0x64000, s1  }
0xb: {  	_ =	strace $0x80000047;
	s11 =	smul.u32 $0xD00, s10;
	[dreg:$0x6] =	wrdreg s26  }
0xc: {  	s12 =	ssub.s32 $0x2, s10;
	s10 =	smul.u32 $0x32000, s10;
	[dreg:$0x7] =	wrdreg s31  }
0xd: {  	s26 =	simm.s32 $0x478;
	s9 =	sadd.s32 s3, s0;
	s3 =	sadd.s32 $0x1000, s0  }
0xe: {  	s0 =	sadd.s32 $0xE00, s0;
	s22 =	sshrl.u32 s12, $0x1;
	s25 =	sadd.s32 s23, s8  }
0xf: {  	s23 =	simm.s32 $0xD0;
	[dreg:$0x8] =	wrdreg s0;
	s9 =	sadd.s32 s11, s9  }
0x10: {  	s0 =	ssub.s32 s12, s22;
	s12 =	simm.s32 $0x340;
	s22 =	simm.s32 $0x5B0  }
0x11: {  	s11 =	sadd.s32 $0x5000, s9;
	s24 =	sadd.s32 $0x1F000, s9;
	s9 =	sadd.s32 $0x39000, s9  }
0x12: {  	s8 =	smax.u32 s0, $0x1;
	s0 =	sadd.s32 s10, s25;
	[dreg:$0x3] =	wrdreg s11  }
0x13: {  	s10 =	simm.s32 $0x1;
	s25 =	simm.s32 $0x5180;
	[dreg:$0x4] =	wrdreg s24  }
0x14: {  	[dreg:$0x5] =	wrdreg s9;
	s11 =	simm.s32 $0x1A0;
	s24 =	simm.s32 $0x2D8  }
.LBB2_1:
0x15: {  	s1 =	rddreg [dreg:$0x8]  }
0x16: {  	[tilespmem:s2], [sflag:$0x1] =	stream.linear.gather [hbm4b:s1+s2], $0x1A0, $0x38;
	[tilespmem:$0x6A80] =	vst v63  }
0x17: {  	_ =	swait.ge [sflag:s10], $0x1A0  }
0x18: {  	s9 =	rddreg [dreg:$0x3];
	[sflag:s10] =	ssyncset.done $0x0  }
0x19: {  	[sflag:s10] =	ssyncadd.s32 $0xFFFFFE60;
	s9 =	sadd.s32 $0x0, s9  }
0x1a: {  	[tilespmem:s11], [sflag:$0x1] =	stream.linear.gather [hbm4b:s9+s2], $0x1A0, $0x38;
	[tilespmem:$0x6A80] =	vst v63  }
0x1b: {  	_ =	swait.ge [sflag:s10], $0x1A0  }
0x1c: {  	s1 =	rddreg [dreg:$0x4];
	[sflag:s10] =	ssyncset.done $0x0  }
0x1d: {  	[sflag:s10] =	ssyncadd.s32 $0xFFFFFE60;
	s9 =	sadd.s32 $0x0, s1  }
0x1e: {  	[tilespmem:s12], [sflag:$0x1] =	stream.linear.gather [hbm4b:s9+s2], $0x1A0, $0x38;
	[tilespmem:$0x6A80] =	vst v63  }
0x1f: {  	_ =	swait.ge [sflag:s10], $0x1A0  }
0x20: {  	s7 =	rddreg [dreg:$0x5];
	[sflag:s10] =	ssyncset.done $0x0  }
0x21: {  	[sflag:s10] =	ssyncadd.s32 $0xFFFFFE60;
	s9 =	sadd.s32 $0x0, s7  }
0x22: {  	[tilespmem:s13], [sflag:$0x1] =	stream.linear.gather [hbm4b:s9+s2], $0x1A0, $0x38;
	[tilespmem:$0x6A80] =	vst v63  }
0x23: {  	_ =	swait.ge [sflag:s10], $0x1A0  }
0x24: {  	[sflag:s10] =	ssyncset.done $0x0  }
0x25: {  	[sflag:s10] =	ssyncadd.s32 $0xFFFFFE60  }
0x26: {  	[tilespmem:s15], [sflag:$0x1] =	stream.indirect.gather [hbm4b:s4+s14], $0x40, s11, s14, $0xb8;
	[tilespmem:$0x6A80] =	vst v63  }
0x27: {  	_ =	swait.ge [sflag:s10], $0x1900  }
0x28: {  	[sflag:s10] =	ssyncset.done $0x0  }
0x29: {  	[sflag:s10] =	ssyncadd.s32 $0xFFFFE700  }
0x2a: {  	[tilespmem:s15], [sflag:$0x1] =	stream.indirect.gather.add.f32 [hbm:s5], $0x40, s12, s14, $0xb8;
	[tilespmem:$0x6A80] =	vst v63  }
0x2b: {  	_ =	swait.ge [sflag:s10], $0x1900  }
0x2c: {  	[sflag:s10] =	ssyncset.done $0x0  }
0x2d: {  	[sflag:s10] =	ssyncadd.s32 $0xFFFFE700  }
0x2e: {  	[tilespmem:s15], [sflag:$0x1] =	stream.indirect.gather.add.f32 [hbm:s6], $0x40, s13, s14, $0xb8;
	[tilespmem:$0x6A80] =	vst v63  }
0x2f: {  	_ =	swait.ge [sflag:s10], $0x1900  }
0x30: {  	[sflag:s10] =	ssyncset.done $0x0  }
0x31: {  	[sflag:s10] =	ssyncadd.s32 $0xFFFFE700  }
0x32: {  	[tilespmem:s15], [sflag:$0x1] =	stream.indirect.gather.add.f32 [hbm:s3], $0x40, s2, s14, $0xb8;
	[tilespmem:$0x6A80] =	vst v63  }
0x33: {  	_ =	swait.ge [sflag:s10], $0x1900  }
0x34: {  	[sflag:s10] =	ssyncset.done $0x0  }
0x35: {  	s1 =	rddreg [dreg:$0x6];
	[sflag:s10] =	ssyncadd.s32 $0xFFFFE700  }
0x36: {  	[tilespmem:s16], [sflag:$0x1] =	stream.indirect.gather [hbm4b:s4+s14], $0x40, s1, s14, $0xb8;
	[tilespmem:$0x6A80] =	vst v63  }
0x37: {  	_ =	swait.ge [sflag:s10], $0x1900  }
0x38: {  	[sflag:s10] =	ssyncset.done $0x0  }
0x39: {  	s7 =	rddreg [dreg:$0x7];
	[sflag:s10] =	ssyncadd.s32 $0xFFFFE700  }
0x3a: {  	[tilespmem:s16], [sflag:$0x1] =	stream.indirect.gather.add.f32 [hbm:s5], $0x40, s7, s14, $0xb8;
	[tilespmem:$0x6A80] =	vst v63  }
0x3b: {  	_ =	swait.ge [sflag:s10], $0x1900  }
0x3c: {  	[sflag:s10] =	ssyncset.done $0x0  }
0x3d: {  	[sflag:s10] =	ssyncadd.s32 $0xFFFFE700  }
0x3e: {  	[tilespmem:s16], [sflag:$0x1] =	stream.indirect.gather.add.f32 [hbm:s6], $0x40, s17, s14, $0xb8;
	[tilespmem:$0x6A80] =	vst v63  }
0x3f: {  	_ =	swait.ge [sflag:s10], $0x1900  }
0x40: {  	[sflag:s10] =	ssyncset.done $0x0  }
0x41: {  	[sflag:s10] =	ssyncadd.s32 $0xFFFFE700  }
0x42: {  	[tilespmem:s16], [sflag:$0x1] =	stream.indirect.gather.add.f32 [hbm:s3], $0x40, s18, s14, $0xb8;
	[tilespmem:$0x6A80] =	vst v63  }
0x43: {  	_ =	swait.ge [sflag:s10], $0x1900  }
0x44: {  	[sflag:s10] =	ssyncset.done $0x0  }
0x45: {  	[sflag:s10] =	ssyncadd.s32 $0xFFFFE700  }
0x46: {  	[tilespmem:s20], [sflag:$0x1] =	stream.indirect.gather [hbm4b:s4+s14], $0x40, s19, s14, $0xb8;
	[tilespmem:$0x6A80] =	vst v63  }
0x47: {  	_ =	swait.ge [sflag:s10], $0x1900  }
0x48: {  	[sflag:s10] =	ssyncset.done $0x0  }
0x49: {  	[sflag:s10] =	ssyncadd.s32 $0xFFFFE700  }
0x4a: {  	[tilespmem:s20], [sflag:$0x1] =	stream.indirect.gather.add.f32 [hbm:s5], $0x40, s21, s14, $0xb8;
	[tilespmem:$0x6A80] =	vst v63  }
0x4b: {  	_ =	swait.ge [sflag:s10], $0x1900  }
0x4c: {  	[sflag:s10] =	ssyncset.done $0x0  }
0x4d: {  	[sflag:s10] =	ssyncadd.s32 $0xFFFFE700  }
0x4e: {  	[tilespmem:s20], [sflag:$0x1] =	stream.indirect.gather.add.f32 [hbm:s6], $0x40, s22, s14, $0xb8;
	[tilespmem:$0x6A80] =	vst v63  }
0x4f: {  	_ =	swait.ge [sflag:s10], $0x1900  }
0x50: {  	[sflag:s10] =	ssyncset.done $0x0  }
0x51: {  	[sflag:s10] =	ssyncadd.s32 $0xFFFFE700  }
0x52: {  	[tilespmem:s20], [sflag:$0x1] =	stream.indirect.gather.add.f32 [hbm:s3], $0x40, s23, s14, $0xb8;
	[tilespmem:$0x6A80] =	vst v63  }
0x53: {  	_ =	swait.ge [sflag:s10], $0x1900  }
0x54: {  	[sflag:s10] =	ssyncset.done $0x0  }
0x55: {  	[sflag:s10] =	ssyncadd.s32 $0xFFFFE700  }
0x56: {  	[tilespmem:s25], [sflag:$0x1] =	stream.indirect.gather [hbm4b:s4+s14], $0x40, s24, s14, $0xb8;
	[tilespmem:$0x6A80] =	vst v63  }
0x57: {  	_ =	swait.ge [sflag:s10], $0x1900  }
0x58: {  	[sflag:s10] =	ssyncset.done $0x0  }
0x59: {  	[sflag:s10] =	ssyncadd.s32 $0xFFFFE700  }
0x5a: {  	[tilespmem:s25], [sflag:$0x1] =	stream.indirect.gather.add.f32 [hbm:s5], $0x40, s26, s14, $0xb8;
	[tilespmem:$0x6A80] =	vst v63  }
0x5b: {  	_ =	swait.ge [sflag:s10], $0x1900  }
0x5c: {  	[sflag:s10] =	ssyncset.done $0x0  }
0x5d: {  	[sflag:s10] =	ssyncadd.s32 $0xFFFFE700  }
0x5e: {  	[tilespmem:s25], [sflag:$0x1] =	stream.indirect.gather.add.f32 [hbm:s6], $0x40, s28, s14, $0xb8;
	[tilespmem:$0x6A80] =	vst v63  }
0x5f: {  	_ =	swait.ge [sflag:s10], $0x1900  }
0x60: {  	[sflag:s10] =	ssyncset.done $0x0  }
0x61: {  	[sflag:s10] =	ssyncadd.s32 $0xFFFFE700  }
0x62: {  	[tilespmem:s25], [sflag:$0x1] =	stream.indirect.gather.add.f32 [hbm:s3], $0x40, s29, s14, $0xb8;
	[tilespmem:$0x6A80] =	vst v63  }
0x63: {  	_ =	swait.ge [sflag:s10], $0x1900  }
0x64: {  	[sflag:s10] =	ssyncset.done $0x0  }
0x65: {  	[sflag:s10] =	ssyncadd.s32 $0xFFFFE700  }
0x66: {  	[hbm4b:s0+s2] =	stream.linear.scatter [tilespmem:s15], [sflag:$0x1], $0x6400, $0x38;
	[tilespmem:$0x6A80] =	vst v63  }
0x67: {  	s31 =	simm.s32 $0x34;
	s9 =	smov.u32 s0;
	_ =	swait.ge [sflag:s10], $0x6400  }
.LBB2_2:
0x68: {  	s1 =	rddreg [dreg:$0x3];
	s7 =	smov.u32 s31;
	[sflag:s10] =	ssyncset.done $0x0  }
0x69: {  	s1 =	sadd.s32 s7, s1;
	[sflag:s10] =	ssyncadd.s32 $0xFFFF9C00  }
0x6a: {  	[tilespmem:s11], [sflag:$0x1] =	stream.linear.gather [hbm4b:s1+s2], $0x1A0, $0x38;
	[tilespmem:$0x6A80] =	vst v63  }
0x6b: {  	_ =	swait.ge [sflag:s10], $0x1A0  }
0x6c: {  	s1 =	rddreg [dreg:$0x4];
	[sflag:s10] =	ssyncset.done $0x0  }
0x6d: {  	[sflag:s10] =	ssyncadd.s32 $0xFFFFFE60;
	s1 =	sadd.s32 s7, s1  }
0x6e: {  	[tilespmem:s12], [sflag:$0x1] =	stream.linear.gather [hbm4b:s1+s2], $0x1A0, $0x38;
	[tilespmem:$0x6A80] =	vst v63  }
0x6f: {  	_ =	swait.ge [sflag:s10], $0x1A0  }
0x70: {  	s1 =	rddreg [dreg:$0x5];
	[sflag:s10] =	ssyncset.done $0x0  }
0x71: {  	[sflag:s10] =	ssyncadd.s32 $0xFFFFFE60;
	s1 =	sadd.s32 s7, s1  }
0x72: {  	[tilespmem:s13], [sflag:$0x1] =	stream.linear.gather [hbm4b:s1+s2], $0x1A0, $0x38;
	[tilespmem:$0x6A80] =	vst v63  }
0x73: {  	_ =	swait.ge [sflag:s10], $0x1A0  }
0x74: {  	[sflag:s10] =	ssyncset.done $0x0  }
0x75: {  	[sflag:s10] =	ssyncadd.s32 $0xFFFFFE60  }
0x76: {  	[tilespmem:s15], [sflag:$0x1] =	stream.indirect.gather [hbm4b:s4+s14], $0x40, s11, s14, $0xb8;
	[tilespmem:$0x6A80] =	vst v63  }
0x77: {  	_ =	swait.ge [sflag:s10], $0x1900  }
0x78: {  	[sflag:s10] =	ssyncset.done $0x0  }
0x79: {  	[sflag:s10] =	ssyncadd.s32 $0xFFFFE700  }
0x7a: {  	[tilespmem:s15], [sflag:$0x1] =	stream.indirect.gather.add.f32 [hbm:s5], $0x40, s12, s14, $0xb8;
	[tilespmem:$0x6A80] =	vst v63  }
0x7b: {  	_ =	swait.ge [sflag:s10], $0x1900  }
0x7c: {  	[sflag:s10] =	ssyncset.done $0x0  }
0x7d: {  	[sflag:s10] =	ssyncadd.s32 $0xFFFFE700  }
0x7e: {  	[tilespmem:s15], [sflag:$0x1] =	stream.indirect.gather.add.f32 [hbm:s6], $0x40, s13, s14, $0xb8;
	[tilespmem:$0x6A80] =	vst v63  }
0x7f: {  	_ =	swait.ge [sflag:s10], $0x1900  }
0x80: {  	[sflag:s10] =	ssyncset.done $0x0  }
0x81: {  	[sflag:s10] =	ssyncadd.s32 $0xFFFFE700  }
0x82: {  	[tilespmem:s15], [sflag:$0x1] =	stream.indirect.gather.add.f32 [hbm:s3], $0x40, s2, s14, $0xb8;
	[tilespmem:$0x6A80] =	vst v63  }
0x83: {  	_ =	swait.ge [sflag:s10], $0x1900  }
0x84: {  	[sflag:s10] =	ssyncset.done $0x0  }
0x85: {  	s7 =	rddreg [dreg:$0x6];
	[sflag:s10] =	ssyncadd.s32 $0xFFFFE700  }
0x86: {  	[tilespmem:s16], [sflag:$0x1] =	stream.indirect.gather [hbm4b:s4+s14], $0x40, s7, s14, $0xb8;
	[tilespmem:$0x6A80] =	vst v63  }
0x87: {  	_ =	swait.ge [sflag:s10], $0x1900  }
0x88: {  	[sflag:s10] =	ssyncset.done $0x0  }
0x89: {  	s7 =	rddreg [dreg:$0x7];
	[sflag:s10] =	ssyncadd.s32 $0xFFFFE700  }
0x8a: {  	[tilespmem:s16], [sflag:$0x1] =	stream.indirect.gather.add.f32 [hbm:s5], $0x40, s7, s14, $0xb8;
	[tilespmem:$0x6A80] =	vst v63  }
0x8b: {  	_ =	swait.ge [sflag:s10], $0x1900  }
0x8c: {  	[sflag:s10] =	ssyncset.done $0x0  }
0x8d: {  	[sflag:s10] =	ssyncadd.s32 $0xFFFFE700  }
0x8e: {  	[tilespmem:s16], [sflag:$0x1] =	stream.indirect.gather.add.f32 [hbm:s6], $0x40, s17, s14, $0xb8;
	[tilespmem:$0x6A80] =	vst v63  }
0x8f: {  	_ =	swait.ge [sflag:s10], $0x1900  }
0x90: {  	[sflag:s10] =	ssyncset.done $0x0  }
0x91: {  	[sflag:s10] =	ssyncadd.s32 $0xFFFFE700  }
0x92: {  	[tilespmem:s16], [sflag:$0x1] =	stream.indirect.gather.add.f32 [hbm:s3], $0x40, s18, s14, $0xb8;
	[tilespmem:$0x6A80] =	vst v63  }
0x93: {  	_ =	swait.ge [sflag:s10], $0x1900  }
0x94: {  	[sflag:s10] =	ssyncset.done $0x0  }
0x95: {  	[sflag:s10] =	ssyncadd.s32 $0xFFFFE700  }
0x96: {  	[tilespmem:s20], [sflag:$0x1] =	stream.indirect.gather [hbm4b:s4+s14], $0x40, s19, s14, $0xb8;
	[tilespmem:$0x6A80] =	vst v63  }
0x97: {  	_ =	swait.ge [sflag:s10], $0x1900  }
0x98: {  	[sflag:s10] =	ssyncset.done $0x0  }
0x99: {  	[sflag:s10] =	ssyncadd.s32 $0xFFFFE700  }
0x9a: {  	[tilespmem:s20], [sflag:$0x1] =	stream.indirect.gather.add.f32 [hbm:s5], $0x40, s21, s14, $0xb8;
	[tilespmem:$0x6A80] =	vst v63  }
0x9b: {  	_ =	swait.ge [sflag:s10], $0x1900  }
0x9c: {  	[sflag:s10] =	ssyncset.done $0x0  }
0x9d: {  	[sflag:s10] =	ssyncadd.s32 $0xFFFFE700  }
0x9e: {  	[tilespmem:s20], [sflag:$0x1] =	stream.indirect.gather.add.f32 [hbm:s6], $0x40, s22, s14, $0xb8;
	[tilespmem:$0x6A80] =	vst v63  }
0x9f: {  	_ =	swait.ge [sflag:s10], $0x1900  }
0xa0: {  	[sflag:s10] =	ssyncset.done $0x0  }
0xa1: {  	[sflag:s10] =	ssyncadd.s32 $0xFFFFE700  }
0xa2: {  	[tilespmem:s20], [sflag:$0x1] =	stream.indirect.gather.add.f32 [hbm:s3], $0x40, s23, s14, $0xb8;
	[tilespmem:$0x6A80] =	vst v63  }
0xa3: {  	_ =	swait.ge [sflag:s10], $0x1900  }
0xa4: {  	[sflag:s10] =	ssyncset.done $0x0  }
0xa5: {  	[sflag:s10] =	ssyncadd.s32 $0xFFFFE700  }
0xa6: {  	[tilespmem:s25], [sflag:$0x1] =	stream.indirect.gather [hbm4b:s4+s14], $0x40, s24, s14, $0xb8;
	[tilespmem:$0x6A80] =	vst v63  }
0xa7: {  	_ =	swait.ge [sflag:s10], $0x1900  }
0xa8: {  	[sflag:s10] =	ssyncset.done $0x0  }
0xa9: {  	[sflag:s10] =	ssyncadd.s32 $0xFFFFE700  }
0xaa: {  	[tilespmem:s25], [sflag:$0x1] =	stream.indirect.gather.add.f32 [hbm:s5], $0x40, s26, s14, $0xb8;
	[tilespmem:$0x6A80] =	vst v63  }
0xab: {  	_ =	swait.ge [sflag:s10], $0x1900  }
0xac: {  	[sflag:s10] =	ssyncset.done $0x0  }
0xad: {  	[sflag:s10] =	ssyncadd.s32 $0xFFFFE700  }
0xae: {  	[tilespmem:s25], [sflag:$0x1] =	stream.indirect.gather.add.f32 [hbm:s6], $0x40, s28, s14, $0xb8;
	[tilespmem:$0x6A80] =	vst v63  }
0xaf: {  	_ =	swait.ge [sflag:s10], $0x1900  }
0xb0: {  	[sflag:s10] =	ssyncset.done $0x0  }
0xb1: {  	p0 =	sne.s32 s31, $0xCCC;
	[sflag:s10] =	ssyncadd.s32 $0xFFFFE700  }
0xb2: {  	[tilespmem:s25], [sflag:$0x1] =	stream.indirect.gather.add.f32 [hbm:s3], $0x40, s29, s14, $0xb8;
	[tilespmem:$0x6A80] =	vst v63  }
.Ltmp0:
0xb3: {  	_ =	swait.ge [sflag:s10], $0x1900;
	(pc) =	sbr.rel @p0 .LBB2_2-.Ltmp0, $4  }
0xb4: {  	[sflag:s10] =	ssyncset.done $0x0  }
0xb5: {  	s9 =	sadd.s32 $0xC80, s9;
	[sflag:s10] =	ssyncadd.s32 $0xFFFFE700  }
0xb6: {  	[hbm4b:s9+s2] =	stream.linear.scatter [tilespmem:s15], [sflag:$0x1], $0x6400, $0x38;
	[tilespmem:$0x6A80] =	vst v63  }
0xb7: {  	s31 =	sadd.s32 $0x34, s31;
	_ =	swait.ge [sflag:s10], $0x6400  }
0xb8: {  	s30 =	sadd.s32 $0x1, s30  }
0xb9: {  	p0 =	sne.s32 s30, s8  }
.Ltmp1:
0xba: {  	_ = 	snop;
	(pc) =	sbr.rel @p0 .LBB2_1-.Ltmp1, $3  }
0xbb: {  	_ =	sdelay $0x1  }
0xbc: {  	[sflag:s10] =	ssyncset.done $0x0  }
0xbd: {  	[sflag:s10] =	ssyncadd.s32 $0xFFFF9C00  }
0xbe: {  	_ =	sfence.sel $0x180000  }
0xbf: {  	[bflag:$0x0] =	sbarrier.arrive $0xFFFF  }
0xc0: {  	_ =	strace $0x90000047  }
0xc1: {  	s0 =	stileid.u32;
	[bflag:$0x2] =	sbarrier.arrive $0xFFFF  }
0xc2: {  	p0 =	sne.s32 s0, $0x0;
	s0 =	rddreg [dreg:$0x2]  }
0xc3: {  	s0 =	sadd.s32 @!p0 $0x100000, s0  }
0xc4: {  	[sflag:s0] =	ssyncadd.tile.s32 @!p0 $0x1;
	_ =	shalt  }
.Lfunc_end2:
_tile_overlayer_lowered:
.L_overlay_start_2:
0xc5: {  	(tag) =	ssettag $0x2  }
0xc6: {  	s0 =	rddreg [dreg:$0x0];
	s2 =	stileid.u32  }
0xc7: {  	s1 =	rddreg [dreg:$0x1];
	p0 =	sne.s32 s2, $0x0  }
0xc8: {  	s3 =	rddreg [dreg:$0x2];
	[bflag:$0x3] =	sbarrier.arrive $0xFFFF;
	s2 =	simm.s32 @!p0 $0x1C01  }
0xc9: {  	[timem:s3], [sflag:s2] =	dma.local @!p0 [hbm:s0], s1  }
0xca: {  	s0 =	simm.s32 @!p0 $0x1  }
0xcb: {  	_ =	swait.ge @!p0 [sflag:s0], s1  }
0xcc: {  	s1 =	ssub.s32 @!p0 $0x0, s1;
	[sflag:s0] =	ssyncset.done @!p0 $0x0  }
0xcd: {  	[sflag:s0] =	ssyncadd.s32 @!p0 s1  }
0xce: {  	[bflag:$0x3] =	sbarrier.arrive $0xFFFF  }
0xcf: {  	_ =	shalt  }

// kernel: sparse-core-data-format-call.cloned.1.call-start
scs
called_computation_lowered:
.L_overlay_start_0:
0x0: {  	s2 =	sld [smem:$0x3FD9]  }
0x1: {  	s3 =	sld [smem:$0x3FFE];
	_ =	sdelay $0x1  }
0x2: {  	s1 =	srdreg.scid  }
0x3: {  	s0 =	sand.u32 $0x1, s1  }
0x4: {  	s18 =	sshll.u32 s0, $0xA;
	s2 =	sadd.s32 s3, s2  }
0x5: {  	s2 =	sadd.s32 s2, s18  }
0x6: {  	[smem:$0x3FC0] =	sst s2  }
0x7: {  	_ = 	snop  }
0x8: {  	s2 =	sld [smem:$0x3FD0];
	(tm) =	ssettm $0x1  }
0x9: {  	s19 =	sld [smem:$0x3FFB];
	_ =	sdelay $0x3  }
0xa: {  	_ =	strace s19  }
0xb: {  	s3 =	sld [smem:$0x3FFC];
	_ =	sdelay $0x3  }
0xc: {  	_ =	strace s3  }
0xd: {  	s3 =	sld [smem:$0x3FFD];
	_ =	sdelay $0x3  }
0xe: {  	_ =	strace s3  }
0xf: {  	_ =	strace $0x8FFFFFFF  }
0x10: {  	s20 =	sld [smem:$0x3FDB];
	_ =	sdelay $0x1  }
0x11: {  	s4 =	simm.s32 $_scs_section_size  }
0x12: {  	s5 =	simm.s32 $_size__tile_overlayer_lowered;
	s6 =	simm.s32 $_tile_overlayer_lowered  }
0x13: {  	s23 =	simm.s32 $0x1BFF;
	s22 =	sshll.u32 s6, $0x1;
	s3 =	sadd.s32 s4, s20  }
0x14: {  	s7 =	simm.s32 $0x0;
	s21 =	sshll.u32 s5, $0x1;
	s5 =	sadd.s32 s22, s3  }
0x15: {  	[timem:s7], [sflag:s23] =	dma.local [hbm:s5], s21  }
0x16: {  	_ =	swait.ge [sflag:s23], s21  }
0x17: {  	s4 =	ssub.s32 $0x0, s21;
	[sflag:s23] =	ssyncset.done $0x0  }
0x18: {  	[sflag:s23] =	ssyncadd.s32 s4;
	_ =	sdelay $0x1  }
0x19: {  	s24 =	simm.s32 $0x1B8B  }
0x1a: {  	_ =	swait.ge [sflag:s24], $0x1  }
0x1b: {  	[sflag:s24] =	ssyncset.done $0x0  }
0x1c: {  	s26 =	simm.s32 $0x1B8E;
	s25 =	sld [smem:$0x3FFE];
	[sflag:s24] =	ssyncadd.s32 $0xFFFFFFFF  }
0x1d: {  	s27 =	simm.s32 $execute0_lowered;
	[smem:$0x3FD2] =	sst s26  }
0x1e: {  	s5 =	sshll.u32 s27, $0x1;
	_ =	strace $0x80000049;
	[dreg:$0x1] =	wrdreg $0xFFFFFFFF  }
0x1f: {  	s28 =	simm.s32 $_size_execute0_lowered;
	s3 =	sadd.s32 s3, s5;
	[dreg:$0x0] =	wrdreg $0x0  }
0x20: {  	s5 =	sshll.u32 s28, $0x1;
	[dreg:$0x2] =	wrdreg s3  }
0x21: {  	[dreg:$0x3] =	wrdreg s5  }
0x22: {  	[dreg:$0x4] =	wrdreg $0xC0  }
0x23: {  	_ =	task [dreg:s7], $0x5FFFF  }
0x24: {  	[dreg:$0x1] =	wrdreg $0xFFFFFFFF  }
0x25: {  	[dreg:$0x0] =	wrdreg $0x60  }
0x26: {  	[dreg:$0x2] =	wrdreg s25  }
0x27: {  	[dreg:$0x3] =	wrdreg s2  }
0x28: {  	[dreg:$0x4] =	wrdreg $0x9  }
0x29: {  	_ =	task.clear_ibuf [dreg:s7], $0x5FFFF;
	_ =	strace $0x90000049  }
0x2a: {  	s29 =	simm.s32 $0x9;
	_ =	strace $0x8000004B  }
0x2b: {  	_ =	swait.ge [sflag:s29], $0x1  }
0x2c: {  	[sflag:s29] =	ssyncadd.s32 $0xFFFFFFFF  }
0x2d: {  	_ =	strace $0x9000004B  }
0x2e: {  	_ =	sfence  }
0x2f: {  	s30 =	sld [smem:$0x0];
	_ =	sdelay $0x2  }
0x30: {  	s31 =	sshll.u32 s1, $0xD;
	s1 =	sshrl.u32 s1, $0x2  }
0x31: {  	s3 =	sand.u32 $0x4000, s31;
	s1 =	sadd.s32 s1, s30  }
0x32: {  	s0 =	sor.u32 s3, s0;
	s1 =	sshll.u32 s1, $0x11  }
0x33: {  	s0 =	sor.u32 s1, s0  }
0x34: {  	s0 =	sadd.s32 $0x8F2B, s0  }
0x35: {  	[sflag:s0] =	ssyncadd.remote.s32 $0x1  }
0x36: {  	_ =	sfence.sel $0xFFFF  }
0x37: {  	[dreg:$0x0] =	wrdreg $0xFFFFFFFF;
	(pc) =	sbr.abs _section_cstart, $3  }
0x38: {  	[dreg:$0x1] =	wrdreg $0xFFFFFFFF  }
0x39: {  	_ =	task.clear_ibuf [dreg:s7], $0x2FFFF;
	_ =	strace $0x9FFFFFFF  }
0x3a: {  	(tm) =	ssettm $0x7FFFFFFF  }
0x3b: {  	_ =	shalt  }
tec
execute0_lowered:
.L_overlay_start_1:
0x0: {  	(tag) =	ssettag $0x1  }
0x1: {  	s0 =	srdreg.scid  }
0x2: {  	s1 =	sshll.u32 s0, $0x4  }
0x3: {  	s4 =	rddreg [dreg:$0x0];
	s0 =	stileid.u32;
	s1 =	sand.u32 $0x10, s1  }
0x4: {  	s2 =	rddreg [dreg:$0x1];
	s7 =	simm.s32 $0x1;
	s1 =	sor.u32 s0, s1  }
0x5: {  	s8 =	simm.s32 $0x2;
	s11 =	simm.s32 $0x0;
	s3 =	sshll.u32 s1, $0x7  }
0x6: {  	s10 =	simm.s32 $0x0;
	s4 =	sadd.s32 $0xC00, s4;
	s6 =	ssub.s32 $0xC8000, s3  }
.Ltmp0:
0x7: {  	s1 =	rddreg [dreg:$0x2];
	s5 =	sand.u32 $0xF80, s6;
	(pc) =	sbr.rel .LBB1_1-.Ltmp0, $4  }
0x8: {  	_ =	strace $0x8000004A;
	s9 =	smov.u32 s3;
	p0 =	sne.s32 s5, $0x0  }
0x9: {  	s6 =	sshrl.u32 s6, $0xC;
	s5 =	simm.s32 $0x1;
	s7 =	simm.s32 @!p0 $0x0  }
0xa: {  	[sflag:s5] =	ssyncpa.u1 $0x0;
	p0 =	por $0x0, $0x0;
	s6 =	sadd.s32 s7, s6  }
0xb: {  	[sflag:s8] =	ssyncpa.u1 $0x0;
	s8 =	simm.s32 $0x640000;
	s7 =	sadd.s32 $0x1, s6  }
.LBB1_4:
0xc: {  	s14 =	sshll.u32 s11, $0x3  }
0xd: {  	s30 =	sand.u32 $0x7F, s11;
	s15 =	sand.u32 $0xFFFFFC00, s14  }
0xe: {  	s11 =	sor.u32 s30, s15  }
0xf: {  	s15 =	smulhi.u32 $0x51EB851F, s11  }
0x10: {  	s14 =	smulhi.u32 $0x51EB851F, s14  }
0x11: {  	s15 =	sshrl.u32 s15, $0x12  }
0x12: {  	s14 =	sshrl.u32 s14, $0x12;
	s15 =	smul.u32 $0xC8000, s15  }
0x13: {  	s14 =	sand.u32 $0x3F, s14  }
0x14: {  	s14 =	smul.u32 $0x19000, s14;
	s11 =	ssub.s32 s11, s15  }
0x15: {  	[tilespmem:s13+$0x810 ss:$0x81] =	vst.msk $0xffff, v2;
	s15 =	sand.u32 $0x7, s11  }
0x16: {  	[tilespmem:s13+$0x1020 ss:$0x81] =	vst.msk $0xffff, v0;
	s14 =	sadd.s32 s2, s14;
	s11 =	sshrl.u32 s11, $0x3;
	s15 =	sshll.u32 s15, $0x12  }
0x17: {  	[tilespmem:s13+$0x0 ss:$0x81] =	vst.msk $0xffff, v1;
	s11 =	sadd.s32 s11, s14;
	s31 =	sor.u32 $0x400, s15  }
0x18: {  	[hbm4b:s11+s31] =	stream.strided.scatter [tilespmem:s12], [sflag:$0x2], $0x2000, s8, s31, $0x20;
	[tilespmem:$0x8080] =	vst v63  }
.LBB1_5:
0x19: {  	s13 =	sadd.s32 $0x1000, s9  }
0x1a: {  	p2 =	sgt.s32 s13, $0xC7FFF  }
0x1b: {  	s13 =	smov.u32 @p2 s3;
	p2 =	sne.s32 s10, s7  }
.Ltmp1:
0x1c: {  	p1 =	slt.u32 s10, $0x2;
	(pc) =	sbr.rel @!p2 .LBB1_6-.Ltmp1, $4  }
0x1d: {  	s12 =	simm.s32 @!p1 $0x2  }
0x1e: {  	s14 =	sadd.s32 $0x1, s10;
	_ =	swait.ge @!p1 [sflag:s12], $0x2000  }
0x1f: {  	s11 =	smov.u32 s9;
	p0 =	por !p0, !p0;
	[sflag:s12] =	ssyncset.done @!p1 $0x0  }
0x20: {  	s10 =	smov.u32 s14;
	s9 =	smov.u32 s13;
	[sflag:s12] =	ssyncadd.s32 @!p1 $0xFFFFE000  }
.LBB1_1:
0x21: {  	p1 =	sge.u32 s10, s6  }
0x22: {  	s12 =	sand.u32 @!p1 $0x1FFFFFF, s9  }
0x23: {  	s13 =	smulhi.u32 @!p1 $0x147AE15, s12;
	_ =	sdelay $0x1  }
0x24: {  	s13 =	sshrl.u32 @!p1 s13, $0xC  }
0x25: {  	s13 =	smul.u32 @!p1 $0xC8000, s13;
	_ =	sdelay $0x1  }
0x26: {  	s31 =	sadd.s32 $0xFFFFFFFF, s10;
	s14 =	sxor.u32 @!p1 $0xFFFFFFFF, s10;
	s12 =	ssub.s32 @!p1 s12, s13  }
0x27: {  	s15 =	simm.s32 @!p1 $0x80;
	s14 =	sshll.u32 @!p1 s14, $0xD;
	s12 =	sshll.u32 @!p1 s12, $0x4  }
0x28: {  	s13 =	sand.u32 @!p1 $0x2000, s14;
	s14 =	simm.s32 @!p1 $0x40;
	s12 =	sadd.s32 @!p1 s4, s12  }
0x29: {  	[tilespmem:s13], [sflag:$0x1] =	stream.strided.gather @!p1 [hbm4b:s12+s14], $0x2000, s15, s14, $0x38;
	[tilespmem:$0x8080] =	vst v63  }
0x2a: {  	p1 =	sge.u32 s31, s6  }
.Ltmp2:
0x2b: {  	_ = 	snop;
	(pc) =	sbr.rel @p1 .LBB1_5-.Ltmp2, $1  }
0x2c: {  	_ =	sdelay $0x3  }
0x2d: {  	s12 =	simm.s32 $0x1  }
0x2e: {  	_ =	swait.ge [sflag:s5], $0x2000;
	s12 =	simm.s32 @!p0 $0x0  }
0x2f: {  	[sflag:s5] =	ssyncset.done $0x0;
	s13 =	sshll.u32 s12, $0xD  }
0x30: {  	[sflag:s5] =	ssyncadd.s32 $0xFFFFE000;
	s16 =	sor.u32 $0x20, s13  }
0x31: {  	s12 =	smul.u32 $0x8100, s12;
	v3 =	vld [tilespmem:s16+$0x10]  }
0x32: {  	s30 =	sand.u32 $0x1, s10;
	v2 =	vld [tilespmem:s16+$0xFFFFFFF0]  }
0x33: {  	s13 =	smul.u32 $0x8100, s30;
	s12 =	sshrl.u32 s12, $0x2;
	v0 =	vld [tilespmem:s16+$0x0]  }
0x34: {  	v1 =	vld [tilespmem:s16+$0xFFFFFFE0];
	s14 =	sor.u32 $0x4000, s12  }
0x35: {  	s31 =	sshrl.u32 s13, $0x2;
	s13 =	sadd.s32 $0x0, s14  }
0x36: {  	s15 =	simm.s32 $0x4;
	s16 =	sadd.s32 $0x40, s16;
	s12 =	sor.u32 $0x4000, s31;
	[tilespmem:s13+$0x1830 ss:$0x81] =	vst.msk $0xffff, v3  }
.LBB1_3:
0x37: {  	v3 =	vld [tilespmem:s16+$0x10];
	p1 =	sne.s32 s15, $0x1FC;
	[tilespmem:s13+$0x810 ss:$0x81] =	vst.msk $0xffff, v2;
	s17 =	smov.u32 s15;
	s15 =	sadd.s32 $0x4, s15  }
.Ltmp3:
0x38: {  	v2 =	vld [tilespmem:s16+$0xFFFFFFF0];
	[tilespmem:s13+$0x1020 ss:$0x81] =	vst.msk $0xffff, v0;
	(pc) =	sbr.rel @p1 .LBB1_3-.Ltmp3, $4  }
0x39: {  	v0 =	vld [tilespmem:s16+$0x0];
	[tilespmem:s13+$0x0 ss:$0x81] =	vst.msk $0xffff, v1  }
0x3a: {  	s13 =	sshra.s32 s17, $0x2;
	v1 =	vld [tilespmem:s16+$0xFFFFFFE0]  }
0x3b: {  	s13 =	sadd.s32 s13, s14  }
0x3c: {  	s16 =	sadd.s32 $0x40, s16;
	[tilespmem:s13+$0x1830 ss:$0x81] =	vst.msk $0xffff, v3  }
.Ltmp4:
0x3d: {  	_ = 	snop;
	(pc) =	sbr.rel .LBB1_4-.Ltmp4, $1  }
0x3e: {  	_ =	sdelay $0x3  }
.LBB1_6:
0x3f: {  	_ =	sfence.sel $0x180000  }
0x40: {  	s2 =	simm.s32 $0x1;
	[bflag:$0x0] =	sbarrier.arrive $0xFFFF  }
0x41: {  	s31 =	simm.s32 $0x2;
	[sflag:s2] =	ssyncpa.u1 $0x1  }
0x42: {  	[sflag:s31] =	ssyncpa.u1 $0x1  }
0x43: {  	p0 =	sne.s32 s0, $0x0;
	_ =	strace $0x9000004A  }
0x44: {  	s0 =	sadd.s32 @!p0 $0x100000, s1;
	[bflag:$0x2] =	sbarrier.arrive $0xFFFF  }
0x45: {  	[sflag:s0] =	ssyncadd.tile.s32 @!p0 $0x1;
	_ =	shalt  }
.Lfunc_end1:
_tile_overlayer_lowered:
.L_overlay_start_2:
0x46: {  	(tag) =	ssettag $0x2  }
0x47: {  	s0 =	rddreg [dreg:$0x0];
	s2 =	stileid.u32  }
0x48: {  	s1 =	rddreg [dreg:$0x1];
	p0 =	sne.s32 s2, $0x0  }
0x49: {  	s3 =	rddreg [dreg:$0x2];
	[bflag:$0x3] =	sbarrier.arrive $0xFFFF;
	s2 =	simm.s32 @!p0 $0x1C01  }
0x4a: {  	[timem:s3], [sflag:s2] =	dma.local @!p0 [hbm:s0], s1  }
0x4b: {  	s0 =	simm.s32 @!p0 $0x1  }
0x4c: {  	_ =	swait.ge @!p0 [sflag:s0], s1  }
0x4d: {  	s1 =	ssub.s32 @!p0 $0x0, s1;
	[sflag:s0] =	ssyncset.done @!p0 $0x0  }
0x4e: {  	[sflag:s0] =	ssyncadd.s32 @!p0 s1  }
0x4f: {  	[bflag:$0x3] =	sbarrier.arrive $0xFFFF  }
0x50: {  	_ =	shalt  }

</sc_bundles>
